<compile_context>
chip_gen: v7x
topology: tpu7x:2x2x1
jax: 0.10.2.dev20260603
libtpu: 0.0.44.dev20260713+nightly
codegen_flags: <defaults>
</compile_context>

<pallas_src>
import jax
import jax.numpy as jnp
import numpy as np
from jax import lax
from jax.experimental import pallas as pl
from jax.experimental.pallas import tpu as pltpu
from jax.experimental.pallas import tpu_sc as plsc

_Y1C = float(np.sqrt(3.0 / (4.0 * np.pi)))
_NTILES = 32
_CHUNK = 10000
_BX = 11
_BZ = 10


def _tile_body(tab_hbm, conv_hbm, out_hbm,
               tab_v, idx_s, idx_d, outv, sem_s, sem_d):
    wid = lax.axis_index("c") * 16 + lax.axis_index("s")
    e_total = conv_hbm.shape[0] // 2
    e_per_tile = e_total // _NTILES
    n_chunks = e_per_tile // _CHUNK
    lanes = lax.iota(jnp.int32, 16)
    zero = jnp.zeros((16,), jnp.float32)
    mask_y = jnp.full((16,), (1 << _BX) - 1, jnp.int32)
    mask_z = jnp.full((16,), (1 << _BZ) - 1, jnp.int32)
    sh_x = jnp.full((16,), _BX + _BZ, jnp.int32)
    sh_y = jnp.full((16,), _BZ, jnp.int32)

    pltpu.sync_copy(tab_hbm, tab_v)

    def chunk_body(ci, accs):
        base = wid * e_per_tile + ci * _CHUNK
        cp_s = pltpu.async_copy(conv_hbm.at[pl.ds(base, _CHUNK)], idx_s, sem_s)
        cp_d = pltpu.async_copy(conv_hbm.at[pl.ds(e_total + base, _CHUNK)], idx_d, sem_d)
        cp_s.wait()
        cp_d.wait()

        def vec_body(i, a):
            ax, ay, az = a
            es = idx_s[pl.ds(i * 16, 16)]
            ed = idx_d[pl.ds(i * 16, 16)]
            ws = plsc.load_gather(tab_v, [es])
            wd = plsc.load_gather(tab_v, [ed])
            qxs = lax.shift_right_logical(ws, sh_x)
            qxd = lax.shift_right_logical(wd, sh_x)
            qys = lax.shift_right_logical(ws, sh_y) & mask_y
            qyd = lax.shift_right_logical(wd, sh_y) & mask_y
            qzs = ws & mask_z
            qzd = wd & mask_z
            dx = (qxs - qxd).astype(jnp.float32)
            dy = (qys - qyd).astype(jnp.float32)
            dz = (qzs - qzd).astype(jnp.float32)
            r2 = ((dx * dx + dy * dy) * (2.0 ** (-2 * _BX))
                  + dz * dz * (2.0 ** (-2 * _BZ)))
            w = jnp.exp(-2.0 * r2)
            return (ax + w * dx, ay + w * dy, az + w * dz)

        return lax.fori_loop(jnp.int32(0), jnp.int32(_CHUNK // 16),
                             vec_body, accs)

    ax, ay, az = lax.fori_loop(jnp.int32(0), jnp.int32(n_chunks),
                               chunk_body, (zero, zero, zero))
    sx = jnp.sum(ax)
    sy = jnp.sum(ay)
    sz = jnp.sum(az)
    res = jnp.where(lanes == 0, sx,
                    jnp.where(lanes == 1, sy,
                              jnp.where(lanes == 2, sz, 0.0)))
    outv[...] = res
    pltpu.sync_copy(outv, out_hbm.at[wid])


def kernel(positions, edge_index):
    n = positions.shape[0]
    pos32 = positions.astype(jnp.float32)
    qx = jnp.minimum(jnp.floor(pos32[:, 0] * (1 << _BX)), (1 << _BX) - 1)
    qy = jnp.minimum(jnp.floor(pos32[:, 1] * (1 << _BX)), (1 << _BX) - 1)
    qz = jnp.minimum(jnp.floor(pos32[:, 2] * (1 << _BZ)), (1 << _BZ) - 1)
    tab = ((qx.astype(jnp.uint32) << (_BX + _BZ))
           | (qy.astype(jnp.uint32) << _BZ)
           | qz.astype(jnp.uint32)).astype(jnp.int32)

    e = edge_index.shape[1]
    conv = edge_index.reshape(2 * e).astype(jnp.int32)

    mesh = plsc.VectorSubcoreMesh(core_axis_name="c", subcore_axis_name="s")
    partials = pl.kernel(
        _tile_body,
        out_type=jax.ShapeDtypeStruct((_NTILES, 16), jnp.float32),
        mesh=mesh,
        compiler_params=pltpu.CompilerParams(
            needs_layout_passes=False, use_tc_tiling_on_sc=False),
        scratch_types=[
            pltpu.VMEM((n,), jnp.int32),
            pltpu.VMEM((_CHUNK,), jnp.int32),
            pltpu.VMEM((_CHUNK,), jnp.int32),
            pltpu.VMEM((16,), jnp.float32),
            pltpu.SemaphoreType.DMA,
            pltpu.SemaphoreType.DMA,
        ],
    )(tab, conv)

    scale = jnp.array([2.0 ** (-_BX), 2.0 ** (-_BX), 2.0 ** (-_BZ)],
                      jnp.float32)
    total = jnp.sum(partials[:, :3], axis=0) * scale
    cv = (100.0 * _Y1C / n) * jnp.sqrt(jnp.sum(total * total))
    return cv.reshape(1, 1).astype(jnp.float32)

# --- scband reference (transcript-rebuilt; emitter-appended) ---
"""Pipeline reference for scband-ba-ti-o3-cv-65584150610222 (READ-ONLY COPY).

The authoritative reference and input builder live on the scoring server;
editing this copy changes nothing except your own understanding.
"""

import jax, jax.numpy as jnp
import numpy as np
jax.config.update("jax_enable_x64", True)

CUTOFF = 3.0
WIDTH = 0.5
SIGMA = 0.5
Y1C = float(np.sqrt(3.0 / (4.0 * np.pi)))


def setup_inputs(seed: int = 0) -> dict:
    key = jax.random.key(seed)
    k1, k2 = jax.random.split(key)
    N = 100000
    E = 6400000
    positions = jax.random.uniform(k1, (N, 3), dtype=jnp.float32)
    edge_index = jax.random.randint(k2, (2, E), 0, N, dtype=jnp.int64)
    return {"positions": positions, "edge_index": edge_index}


def _spherical_expansion(positions, edge_index):
    # l=1, n=0 Gaussian-density spherical expansion with ShiftedCosine cutoff
    src = edge_index[0]
    dst = edge_index[1]
    r_vec = positions[src] - positions[dst]           # gather: neighbor - center
    r2 = jnp.sum(r_vec * r_vec, axis=-1)
    r = jnp.sqrt(jnp.maximum(r2, 1e-24))
    inner = CUTOFF - WIDTH
    f_cut = jnp.where(
        r < inner,
        1.0,
        jnp.where(r < CUTOFF, 0.5 * (1.0 + jnp.cos(np.pi * (r - inner) / WIDTH)), 0.0),
    )
    # GTO max_radial=0 radial channel for l=1 with Gaussian density width 0.5
    radial = r * jnp.exp(-r2 / (2.0 * SIGMA * SIGMA))
    unit = r_vec / r[:, None]
    # real spherical harmonics l=1, m order (-1, 0, +1) -> (y, z, x)
    y1 = Y1C * jnp.stack([unit[:, 1], unit[:, 2], unit[:, 0]], axis=-1)
    coef = (f_cut * radial)[:, None] * y1             # [E, 3]
    density = jnp.zeros((positions.shape[0], 3), dtype=positions.dtype).at[dst].add(coef)
    return density[:, :, None]                        # [N, 3 components, 1 property]


def reference(positions, edge_index):
    values = _spherical_expansion(positions, edge_index)
    cv = 100.0 * jnp.linalg.norm(jnp.mean(values, axis=0))
    return cv.reshape(1, 1)

if __name__ == "__main__":
    import jax
    _d = setup_inputs()
    print(jax.jit(kernel)(*tuple(_d.values())))

</pallas_src>

<mosaic_0001>
#map = affine_map<(d0, d1) -> (0)>
#map1 = affine_map<(d0, d1) -> (0, 0)>
module attributes {stable_mosaic.version = 14 : i64} {
  func.func @_tile_body(%arg0: i32, %arg1: i32, %arg2: memref<100000xi32, #tpu.memory_space<hbm>>, %arg3: memref<12800000xi32, #tpu.memory_space<hbm>>, %arg4: memref<32x16xf32, #tpu.memory_space<hbm>>, %arg5: memref<100000xi32, #tpu.memory_space<vmem>>, %arg6: memref<10000xi32, #tpu.memory_space<vmem>>, %arg7: memref<10000xi32, #tpu.memory_space<vmem>>, %arg8: memref<16xf32, #tpu.memory_space<vmem>>, %arg9: memref<!tpu.dma_semaphore, #tpu.memory_space<semaphore_mem>>, %arg10: memref<!tpu.dma_semaphore, #tpu.memory_space<semaphore_mem>>) attributes {dimension_semantics = [#tpu.dimension_semantics<core_parallel>, #tpu.dimension_semantics<subcore_parallel>], iteration_bounds = array<i64: 2, 16>, scalar_prefetch = 0 : i64, scratch_operands = 6 : i64, tpu.core_type = #tpu.core_type<sc_vector_subcore>, window_params = [{transform_indices = #map}, {transform_indices = #map}, {transform_indices = #map1}]} {
    %mul3A = arith.constant 16 : i32
    %mul3A_0 = arith.muli %arg0, %mul3A : i32
    %add3A = arith.addi %mul3A_0, %arg1 : i32
    %iota3A = tpu.iota {dimensions = array<i32: 0>} : vector<16xi32>
    %broadcast_in_dim3A = arith.constant 0.000000e+00 : f32
    %broadcast_in_dim3A_1 = vector.broadcast %broadcast_in_dim3A : f32 to vector<16xf32>
    %broadcast_in_dim3A_2 = arith.constant 2047 : i32
    %broadcast_in_dim3A_3 = vector.broadcast %broadcast_in_dim3A_2 : i32 to vector<16xi32>
    %broadcast_in_dim3A_4 = arith.constant 1023 : i32
    %broadcast_in_dim3A_5 = vector.broadcast %broadcast_in_dim3A_4 : i32 to vector<16xi32>
    %broadcast_in_dim3A_6 = arith.constant 21 : i32
    %broadcast_in_dim3A_7 = vector.broadcast %broadcast_in_dim3A_6 : i32 to vector<16xi32>
    %broadcast_in_dim3A_8 = arith.constant 10 : i32
    %broadcast_in_dim3A_9 = vector.broadcast %broadcast_in_dim3A_8 : i32 to vector<16xi32>
    "tpu.region"() ({
      %run_scoped3A = tpu.sem_alloc : memref<!tpu.dma_semaphore, #tpu.memory_space<semaphore_mem>>
      tpu.enqueue_dma source(%arg2 : memref<100000xi32, #tpu.memory_space<hbm>>) target(%arg5 : memref<100000xi32, #tpu.memory_space<vmem>>) target_semaphore(%run_scoped3A : memref<!tpu.dma_semaphore, #tpu.memory_space<semaphore_mem>>)
      tpu.wait_dma2 semaphore(%run_scoped3A : memref<!tpu.dma_semaphore, #tpu.memory_space<semaphore_mem>>) src(%arg2 : memref<100000xi32, #tpu.memory_space<hbm>>) dst(%arg5 : memref<100000xi32, #tpu.memory_space<vmem>>)
      tpu.yield
    }) : () -> ()
    %while3A = arith.constant 0 : i32
    %while3A_10 = arith.constant 20 : i32
    %while3A_11 = arith.subi %while3A_10, %while3A : i32
    %while3A_12 = arith.addi %while3A, %while3A_11 : i32
    %while3A_13 = arith.constant 1 : i32
    %while3A_14 = arith.divsi %while3A_11, %while3A_13 : i32
    %while3A_15 = arith.muli %while3A_14, %while3A_13 : i32
    %while3A_16 = arith.addi %while3A, %while3A_15 : i32
    %while3A_17 = arith.constant 1 : i32
    %while3A_18:3 = scf.for %while3A_47 = %while3A to %while3A_16 step %while3A_17 iter_args(%while3A_48 = %broadcast_in_dim3A_1, %while3A_49 = %broadcast_in_dim3A_1, %while3A_50 = %broadcast_in_dim3A_1) -> (vector<16xf32>, vector<16xf32>, vector<16xf32>)  : i32 {
      %mul3A_51 = arith.constant 200000 : i32
      %mul3A_52 = arith.muli %add3A, %mul3A_51 : i32
      %mul3A_53 = arith.constant 10000 : i32
      %mul3A_54 = arith.muli %while3A_47, %mul3A_53 : i32
      %add3A_55 = arith.addi %mul3A_52, %mul3A_54 : i32
      %dma_start3A = tpu.memref_slice %arg3[%add3A_55] : memref<12800000xi32, #tpu.memory_space<hbm>> -> memref<10000xi32, #tpu.memory_space<hbm>>
      %dma_start3A_56 = tpu.memref_slice %arg3[%add3A_55] : memref<12800000xi32, #tpu.memory_space<hbm>> -> memref<10000xi32, #tpu.memory_space<hbm>>
      tpu.enqueue_dma source(%dma_start3A_56 : memref<10000xi32, #tpu.memory_space<hbm>>) target(%arg6 : memref<10000xi32, #tpu.memory_space<vmem>>) target_semaphore(%arg9 : memref<!tpu.dma_semaphore, #tpu.memory_space<semaphore_mem>>)
      %add3A_57 = arith.constant 6400000 : i32
      %add3A_58 = arith.addi %add3A_57, %add3A_55 : i32
      %dma_start3A_59 = tpu.memref_slice %arg3[%add3A_58] : memref<12800000xi32, #tpu.memory_space<hbm>> -> memref<10000xi32, #tpu.memory_space<hbm>>
      %dma_start3A_60 = tpu.memref_slice %arg3[%add3A_58] : memref<12800000xi32, #tpu.memory_space<hbm>> -> memref<10000xi32, #tpu.memory_space<hbm>>
      tpu.enqueue_dma source(%dma_start3A_60 : memref<10000xi32, #tpu.memory_space<hbm>>) target(%arg7 : memref<10000xi32, #tpu.memory_space<vmem>>) target_semaphore(%arg10 : memref<!tpu.dma_semaphore, #tpu.memory_space<semaphore_mem>>)
      %dma_wait3A = tpu.memref_slice %arg3[%add3A_55] : memref<12800000xi32, #tpu.memory_space<hbm>> -> memref<10000xi32, #tpu.memory_space<hbm>>
      %dma_wait3A_61 = tpu.memref_slice %arg3[%add3A_55] : memref<12800000xi32, #tpu.memory_space<hbm>> -> memref<10000xi32, #tpu.memory_space<hbm>>
      tpu.wait_dma2 semaphore(%arg9 : memref<!tpu.dma_semaphore, #tpu.memory_space<semaphore_mem>>) src(%dma_wait3A_61 : memref<10000xi32, #tpu.memory_space<hbm>>) dst(%arg6 : memref<10000xi32, #tpu.memory_space<vmem>>)
      %dma_wait3A_62 = tpu.memref_slice %arg3[%add3A_58] : memref<12800000xi32, #tpu.memory_space<hbm>> -> memref<10000xi32, #tpu.memory_space<hbm>>
      %dma_wait3A_63 = tpu.memref_slice %arg3[%add3A_58] : memref<12800000xi32, #tpu.memory_space<hbm>> -> memref<10000xi32, #tpu.memory_space<hbm>>
      tpu.wait_dma2 semaphore(%arg10 : memref<!tpu.dma_semaphore, #tpu.memory_space<semaphore_mem>>) src(%dma_wait3A_63 : memref<10000xi32, #tpu.memory_space<hbm>>) dst(%arg7 : memref<10000xi32, #tpu.memory_space<vmem>>)
      %while3A_64 = arith.constant 0 : i32
      %while3A_65 = arith.constant 625 : i32
      %while3A_66 = arith.subi %while3A_65, %while3A_64 : i32
      %while3A_67 = arith.addi %while3A_64, %while3A_66 : i32
      %while3A_68 = arith.constant 1 : i32
      %while3A_69 = arith.divsi %while3A_66, %while3A_68 : i32
      %while3A_70 = arith.muli %while3A_69, %while3A_68 : i32
      %while3A_71 = arith.addi %while3A_64, %while3A_70 : i32
      %while3A_72 = arith.constant 1 : i32
      %while3A_73:3 = scf.for %while3A_76 = %while3A_64 to %while3A_71 step %while3A_72 iter_args(%while3A_77 = %while3A_48, %while3A_78 = %while3A_49, %while3A_79 = %while3A_50) -> (vector<16xf32>, vector<16xf32>, vector<16xf32>)  : i32 {
        %mul3A_80 = arith.constant 16 : i32
        %mul3A_81 = arith.muli %while3A_76, %mul3A_80 : i32
        %get3A = arith.index_cast %mul3A_81 : i32 to index
        %get3A_82 = tpu.vector_load %arg6[%get3A] {strides = array<i32>} : memref<10000xi32, #tpu.memory_space<vmem>>, vector<16xi32>,
        %mul3A_83 = arith.constant 16 : i32
        %mul3A_84 = arith.muli %while3A_76, %mul3A_83 : i32
        %get3A_85 = arith.index_cast %mul3A_84 : i32 to index
        %get3A_86 = tpu.vector_load %arg7[%get3A_85] {strides = array<i32>} : memref<10000xi32, #tpu.memory_space<vmem>>, vector<16xi32>,
        %gather3A = tpu.vector_load_idx %arg5[%get3A_82] : memref<100000xi32, #tpu.memory_space<vmem>>[vector<16xi32>], vector<16xi32>,
        %gather3A_87 = tpu.vector_load_idx %arg5[%get3A_86] : memref<100000xi32, #tpu.memory_space<vmem>>[vector<16xi32>], vector<16xi32>,
        %shift_right_logical3A = arith.shrui %gather3A, %broadcast_in_dim3A_7 : vector<16xi32>
        %shift_right_logical3A_88 = arith.shrui %gather3A_87, %broadcast_in_dim3A_7 : vector<16xi32>
        %shift_right_logical3A_89 = arith.shrui %gather3A, %broadcast_in_dim3A_9 : vector<16xi32>
        %and3A = arith.andi %shift_right_logical3A_89, %broadcast_in_dim3A_3 : vector<16xi32>
        %shift_right_logical3A_90 = arith.shrui %gather3A_87, %broadcast_in_dim3A_9 : vector<16xi32>
        %and3A_91 = arith.andi %shift_right_logical3A_90, %broadcast_in_dim3A_3 : vector<16xi32>
        %and3A_92 = arith.andi %gather3A, %broadcast_in_dim3A_5 : vector<16xi32>
        %and3A_93 = arith.andi %gather3A_87, %broadcast_in_dim3A_5 : vector<16xi32>
        %sub3A = arith.subi %shift_right_logical3A, %shift_right_logical3A_88 : vector<16xi32>
        %convert_element_type3A_94 = arith.sitofp %sub3A : vector<16xi32> to vector<16xf32>
        %sub3A_95 = arith.subi %and3A, %and3A_91 : vector<16xi32>
        %convert_element_type3A_96 = arith.sitofp %sub3A_95 : vector<16xi32> to vector<16xf32>
        %sub3A_97 = arith.subi %and3A_92, %and3A_93 : vector<16xi32>
        %convert_element_type3A_98 = arith.sitofp %sub3A_97 : vector<16xi32> to vector<16xf32>
        %mul3A_99 = arith.mulf %convert_element_type3A_94, %convert_element_type3A_94 : vector<16xf32>
        %mul3A_100 = arith.mulf %convert_element_type3A_96, %convert_element_type3A_96 : vector<16xf32>
        %add3A_101 = arith.addf %mul3A_99, %mul3A_100 : vector<16xf32>
        %mul3A_102 = arith.constant 2.38418579E-7 : f32
        %mul3A_103 = vector.broadcast %mul3A_102 : f32 to vector<16xf32>
        %mul3A_104 = arith.mulf %add3A_101, %mul3A_103 : vector<16xf32>
        %mul3A_105 = arith.mulf %convert_element_type3A_98, %convert_element_type3A_98 : vector<16xf32>
        %mul3A_106 = arith.constant 9.53674316E-7 : f32
        %mul3A_107 = vector.broadcast %mul3A_106 : f32 to vector<16xf32>
        %mul3A_108 = arith.mulf %mul3A_105, %mul3A_107 : vector<16xf32>
        %add3A_109 = arith.addf %mul3A_104, %mul3A_108 : vector<16xf32>
        %mul3A_110 = arith.constant -2.000000e+00 : f32
        %mul3A_111 = vector.broadcast %mul3A_110 : f32 to vector<16xf32>
        %mul3A_112 = arith.mulf %mul3A_111, %add3A_109 : vector<16xf32>
        %exp3A = math.exp %mul3A_112 : vector<16xf32>
        %mul3A_113 = arith.mulf %exp3A, %convert_element_type3A_94 : vector<16xf32>
        %add3A_114 = arith.addf %while3A_77, %mul3A_113 : vector<16xf32>
        %mul3A_115 = arith.mulf %exp3A, %convert_element_type3A_96 : vector<16xf32>
        %add3A_116 = arith.addf %while3A_78, %mul3A_115 : vector<16xf32>
        %mul3A_117 = arith.mulf %exp3A, %convert_element_type3A_98 : vector<16xf32>
        %add3A_118 = arith.addf %while3A_79, %mul3A_117 : vector<16xf32>
        scf.yield %add3A_114, %add3A_116, %add3A_118 : vector<16xf32>, vector<16xf32>, vector<16xf32>
      }
      %while3A_74 = arith.constant 1 : i32
      %while3A_75:3 = scf.for %while3A_76 = %while3A_71 to %while3A_67 step %while3A_74 iter_args(%while3A_77 = %while3A_73#0, %while3A_78 = %while3A_73#1, %while3A_79 = %while3A_73#2) -> (vector<16xf32>, vector<16xf32>, vector<16xf32>)  : i32 {
        %mul3A_80 = arith.constant 16 : i32
        %mul3A_81 = arith.muli %while3A_76, %mul3A_80 : i32
        %get3A = arith.index_cast %mul3A_81 : i32 to index
        %get3A_82 = tpu.vector_load %arg6[%get3A] {strides = array<i32>} : memref<10000xi32, #tpu.memory_space<vmem>>, vector<16xi32>,
        %mul3A_83 = arith.constant 16 : i32
        %mul3A_84 = arith.muli %while3A_76, %mul3A_83 : i32
        %get3A_85 = arith.index_cast %mul3A_84 : i32 to index
        %get3A_86 = tpu.vector_load %arg7[%get3A_85] {strides = array<i32>} : memref<10000xi32, #tpu.memory_space<vmem>>, vector<16xi32>,
        %gather3A = tpu.vector_load_idx %arg5[%get3A_82] : memref<100000xi32, #tpu.memory_space<vmem>>[vector<16xi32>], vector<16xi32>,
        %gather3A_87 = tpu.vector_load_idx %arg5[%get3A_86] : memref<100000xi32, #tpu.memory_space<vmem>>[vector<16xi32>], vector<16xi32>,
        %shift_right_logical3A = arith.shrui %gather3A, %broadcast_in_dim3A_7 : vector<16xi32>
        %shift_right_logical3A_88 = arith.shrui %gather3A_87, %broadcast_in_dim3A_7 : vector<16xi32>
        %shift_right_logical3A_89 = arith.shrui %gather3A, %broadcast_in_dim3A_9 : vector<16xi32>
        %and3A = arith.andi %shift_right_logical3A_89, %broadcast_in_dim3A_3 : vector<16xi32>
        %shift_right_logical3A_90 = arith.shrui %gather3A_87, %broadcast_in_dim3A_9 : vector<16xi32>
        %and3A_91 = arith.andi %shift_right_logical3A_90, %broadcast_in_dim3A_3 : vector<16xi32>
        %and3A_92 = arith.andi %gather3A, %broadcast_in_dim3A_5 : vector<16xi32>
        %and3A_93 = arith.andi %gather3A_87, %broadcast_in_dim3A_5 : vector<16xi32>
        %sub3A = arith.subi %shift_right_logical3A, %shift_right_logical3A_88 : vector<16xi32>
        %convert_element_type3A_94 = arith.sitofp %sub3A : vector<16xi32> to vector<16xf32>
        %sub3A_95 = arith.subi %and3A, %and3A_91 : vector<16xi32>
        %convert_element_type3A_96 = arith.sitofp %sub3A_95 : vector<16xi32> to vector<16xf32>
        %sub3A_97 = arith.subi %and3A_92, %and3A_93 : vector<16xi32>
        %convert_element_type3A_98 = arith.sitofp %sub3A_97 : vector<16xi32> to vector<16xf32>
        %mul3A_99 = arith.mulf %convert_element_type3A_94, %convert_element_type3A_94 : vector<16xf32>
        %mul3A_100 = arith.mulf %convert_element_type3A_96, %convert_element_type3A_96 : vector<16xf32>
        %add3A_101 = arith.addf %mul3A_99, %mul3A_100 : vector<16xf32>
        %mul3A_102 = arith.constant 2.38418579E-7 : f32
        %mul3A_103 = vector.broadcast %mul3A_102 : f32 to vector<16xf32>
        %mul3A_104 = arith.mulf %add3A_101, %mul3A_103 : vector<16xf32>
        %mul3A_105 = arith.mulf %convert_element_type3A_98, %convert_element_type3A_98 : vector<16xf32>
        %mul3A_106 = arith.constant 9.53674316E-7 : f32
        %mul3A_107 = vector.broadcast %mul3A_106 : f32 to vector<16xf32>
        %mul3A_108 = arith.mulf %mul3A_105, %mul3A_107 : vector<16xf32>
        %add3A_109 = arith.addf %mul3A_104, %mul3A_108 : vector<16xf32>
        %mul3A_110 = arith.constant -2.000000e+00 : f32
        %mul3A_111 = vector.broadcast %mul3A_110 : f32 to vector<16xf32>
        %mul3A_112 = arith.mulf %mul3A_111, %add3A_109 : vector<16xf32>
        %exp3A = math.exp %mul3A_112 : vector<16xf32>
        %mul3A_113 = arith.mulf %exp3A, %convert_element_type3A_94 : vector<16xf32>
        %add3A_114 = arith.addf %while3A_77, %mul3A_113 : vector<16xf32>
        %mul3A_115 = arith.mulf %exp3A, %convert_element_type3A_96 : vector<16xf32>
        %add3A_116 = arith.addf %while3A_78, %mul3A_115 : vector<16xf32>
        %mul3A_117 = arith.mulf %exp3A, %convert_element_type3A_98 : vector<16xf32>
        %add3A_118 = arith.addf %while3A_79, %mul3A_117 : vector<16xf32>
        scf.yield %add3A_114, %add3A_116, %add3A_118 : vector<16xf32>, vector<16xf32>, vector<16xf32>
      }
      scf.yield %while3A_75#0, %while3A_75#1, %while3A_75#2 : vector<16xf32>, vector<16xf32>, vector<16xf32>
    }
    %while3A_19 = arith.constant 1 : i32
    %while3A_20:3 = scf.for %while3A_47 = %while3A_16 to %while3A_12 step %while3A_19 iter_args(%while3A_48 = %while3A_18#0, %while3A_49 = %while3A_18#1, %while3A_50 = %while3A_18#2) -> (vector<16xf32>, vector<16xf32>, vector<16xf32>)  : i32 {
      %mul3A_51 = arith.constant 200000 : i32
      %mul3A_52 = arith.muli %add3A, %mul3A_51 : i32
      %mul3A_53 = arith.constant 10000 : i32
      %mul3A_54 = arith.muli %while3A_47, %mul3A_53 : i32
      %add3A_55 = arith.addi %mul3A_52, %mul3A_54 : i32
      %dma_start3A = tpu.memref_slice %arg3[%add3A_55] : memref<12800000xi32, #tpu.memory_space<hbm>> -> memref<10000xi32, #tpu.memory_space<hbm>>
      %dma_start3A_56 = tpu.memref_slice %arg3[%add3A_55] : memref<12800000xi32, #tpu.memory_space<hbm>> -> memref<10000xi32, #tpu.memory_space<hbm>>
      tpu.enqueue_dma source(%dma_start3A_56 : memref<10000xi32, #tpu.memory_space<hbm>>) target(%arg6 : memref<10000xi32, #tpu.memory_space<vmem>>) target_semaphore(%arg9 : memref<!tpu.dma_semaphore, #tpu.memory_space<semaphore_mem>>)
      %add3A_57 = arith.constant 6400000 : i32
      %add3A_58 = arith.addi %add3A_57, %add3A_55 : i32
      %dma_start3A_59 = tpu.memref_slice %arg3[%add3A_58] : memref<12800000xi32, #tpu.memory_space<hbm>> -> memref<10000xi32, #tpu.memory_space<hbm>>
      %dma_start3A_60 = tpu.memref_slice %arg3[%add3A_58] : memref<12800000xi32, #tpu.memory_space<hbm>> -> memref<10000xi32, #tpu.memory_space<hbm>>
      tpu.enqueue_dma source(%dma_start3A_60 : memref<10000xi32, #tpu.memory_space<hbm>>) target(%arg7 : memref<10000xi32, #tpu.memory_space<vmem>>) target_semaphore(%arg10 : memref<!tpu.dma_semaphore, #tpu.memory_space<semaphore_mem>>)
      %dma_wait3A = tpu.memref_slice %arg3[%add3A_55] : memref<12800000xi32, #tpu.memory_space<hbm>> -> memref<10000xi32, #tpu.memory_space<hbm>>
      %dma_wait3A_61 = tpu.memref_slice %arg3[%add3A_55] : memref<12800000xi32, #tpu.memory_space<hbm>> -> memref<10000xi32, #tpu.memory_space<hbm>>
      tpu.wait_dma2 semaphore(%arg9 : memref<!tpu.dma_semaphore, #tpu.memory_space<semaphore_mem>>) src(%dma_wait3A_61 : memref<10000xi32, #tpu.memory_space<hbm>>) dst(%arg6 : memref<10000xi32, #tpu.memory_space<vmem>>)
      %dma_wait3A_62 = tpu.memref_slice %arg3[%add3A_58] : memref<12800000xi32, #tpu.memory_space<hbm>> -> memref<10000xi32, #tpu.memory_space<hbm>>
      %dma_wait3A_63 = tpu.memref_slice %arg3[%add3A_58] : memref<12800000xi32, #tpu.memory_space<hbm>> -> memref<10000xi32, #tpu.memory_space<hbm>>
      tpu.wait_dma2 semaphore(%arg10 : memref<!tpu.dma_semaphore, #tpu.memory_space<semaphore_mem>>) src(%dma_wait3A_63 : memref<10000xi32, #tpu.memory_space<hbm>>) dst(%arg7 : memref<10000xi32, #tpu.memory_space<vmem>>)
      %while3A_64 = arith.constant 0 : i32
      %while3A_65 = arith.constant 625 : i32
      %while3A_66 = arith.subi %while3A_65, %while3A_64 : i32
      %while3A_67 = arith.addi %while3A_64, %while3A_66 : i32
      %while3A_68 = arith.constant 1 : i32
      %while3A_69 = arith.divsi %while3A_66, %while3A_68 : i32
      %while3A_70 = arith.muli %while3A_69, %while3A_68 : i32
      %while3A_71 = arith.addi %while3A_64, %while3A_70 : i32
      %while3A_72 = arith.constant 1 : i32
      %while3A_73:3 = scf.for %while3A_76 = %while3A_64 to %while3A_71 step %while3A_72 iter_args(%while3A_77 = %while3A_48, %while3A_78 = %while3A_49, %while3A_79 = %while3A_50) -> (vector<16xf32>, vector<16xf32>, vector<16xf32>)  : i32 {
        %mul3A_80 = arith.constant 16 : i32
        %mul3A_81 = arith.muli %while3A_76, %mul3A_80 : i32
        %get3A = arith.index_cast %mul3A_81 : i32 to index
        %get3A_82 = tpu.vector_load %arg6[%get3A] {strides = array<i32>} : memref<10000xi32, #tpu.memory_space<vmem>>, vector<16xi32>,
        %mul3A_83 = arith.constant 16 : i32
        %mul3A_84 = arith.muli %while3A_76, %mul3A_83 : i32
        %get3A_85 = arith.index_cast %mul3A_84 : i32 to index
        %get3A_86 = tpu.vector_load %arg7[%get3A_85] {strides = array<i32>} : memref<10000xi32, #tpu.memory_space<vmem>>, vector<16xi32>,
        %gather3A = tpu.vector_load_idx %arg5[%get3A_82] : memref<100000xi32, #tpu.memory_space<vmem>>[vector<16xi32>], vector<16xi32>,
        %gather3A_87 = tpu.vector_load_idx %arg5[%get3A_86] : memref<100000xi32, #tpu.memory_space<vmem>>[vector<16xi32>], vector<16xi32>,
        %shift_right_logical3A = arith.shrui %gather3A, %broadcast_in_dim3A_7 : vector<16xi32>
        %shift_right_logical3A_88 = arith.shrui %gather3A_87, %broadcast_in_dim3A_7 : vector<16xi32>
        %shift_right_logical3A_89 = arith.shrui %gather3A, %broadcast_in_dim3A_9 : vector<16xi32>
        %and3A = arith.andi %shift_right_logical3A_89, %broadcast_in_dim3A_3 : vector<16xi32>
        %shift_right_logical3A_90 = arith.shrui %gather3A_87, %broadcast_in_dim3A_9 : vector<16xi32>
        %and3A_91 = arith.andi %shift_right_logical3A_90, %broadcast_in_dim3A_3 : vector<16xi32>
        %and3A_92 = arith.andi %gather3A, %broadcast_in_dim3A_5 : vector<16xi32>
        %and3A_93 = arith.andi %gather3A_87, %broadcast_in_dim3A_5 : vector<16xi32>
        %sub3A = arith.subi %shift_right_logical3A, %shift_right_logical3A_88 : vector<16xi32>
        %convert_element_type3A_94 = arith.sitofp %sub3A : vector<16xi32> to vector<16xf32>
        %sub3A_95 = arith.subi %and3A, %and3A_91 : vector<16xi32>
        %convert_element_type3A_96 = arith.sitofp %sub3A_95 : vector<16xi32> to vector<16xf32>
        %sub3A_97 = arith.subi %and3A_92, %and3A_93 : vector<16xi32>
        %convert_element_type3A_98 = arith.sitofp %sub3A_97 : vector<16xi32> to vector<16xf32>
        %mul3A_99 = arith.mulf %convert_element_type3A_94, %convert_element_type3A_94 : vector<16xf32>
        %mul3A_100 = arith.mulf %convert_element_type3A_96, %convert_element_type3A_96 : vector<16xf32>
        %add3A_101 = arith.addf %mul3A_99, %mul3A_100 : vector<16xf32>
        %mul3A_102 = arith.constant 2.38418579E-7 : f32
        %mul3A_103 = vector.broadcast %mul3A_102 : f32 to vector<16xf32>
        %mul3A_104 = arith.mulf %add3A_101, %mul3A_103 : vector<16xf32>
        %mul3A_105 = arith.mulf %convert_element_type3A_98, %convert_element_type3A_98 : vector<16xf32>
        %mul3A_106 = arith.constant 9.53674316E-7 : f32
        %mul3A_107 = vector.broadcast %mul3A_106 : f32 to vector<16xf32>
        %mul3A_108 = arith.mulf %mul3A_105, %mul3A_107 : vector<16xf32>
        %add3A_109 = arith.addf %mul3A_104, %mul3A_108 : vector<16xf32>
        %mul3A_110 = arith.constant -2.000000e+00 : f32
        %mul3A_111 = vector.broadcast %mul3A_110 : f32 to vector<16xf32>
        %mul3A_112 = arith.mulf %mul3A_111, %add3A_109 : vector<16xf32>
        %exp3A = math.exp %mul3A_112 : vector<16xf32>
        %mul3A_113 = arith.mulf %exp3A, %convert_element_type3A_94 : vector<16xf32>
        %add3A_114 = arith.addf %while3A_77, %mul3A_113 : vector<16xf32>
        %mul3A_115 = arith.mulf %exp3A, %convert_element_type3A_96 : vector<16xf32>
        %add3A_116 = arith.addf %while3A_78, %mul3A_115 : vector<16xf32>
        %mul3A_117 = arith.mulf %exp3A, %convert_element_type3A_98 : vector<16xf32>
        %add3A_118 = arith.addf %while3A_79, %mul3A_117 : vector<16xf32>
        scf.yield %add3A_114, %add3A_116, %add3A_118 : vector<16xf32>, vector<16xf32>, vector<16xf32>
      }
      %while3A_74 = arith.constant 1 : i32
      %while3A_75:3 = scf.for %while3A_76 = %while3A_71 to %while3A_67 step %while3A_74 iter_args(%while3A_77 = %while3A_73#0, %while3A_78 = %while3A_73#1, %while3A_79 = %while3A_73#2) -> (vector<16xf32>, vector<16xf32>, vector<16xf32>)  : i32 {
        %mul3A_80 = arith.constant 16 : i32
        %mul3A_81 = arith.muli %while3A_76, %mul3A_80 : i32
        %get3A = arith.index_cast %mul3A_81 : i32 to index
        %get3A_82 = tpu.vector_load %arg6[%get3A] {strides = array<i32>} : memref<10000xi32, #tpu.memory_space<vmem>>, vector<16xi32>,
        %mul3A_83 = arith.constant 16 : i32
        %mul3A_84 = arith.muli %while3A_76, %mul3A_83 : i32
        %get3A_85 = arith.index_cast %mul3A_84 : i32 to index
        %get3A_86 = tpu.vector_load %arg7[%get3A_85] {strides = array<i32>} : memref<10000xi32, #tpu.memory_space<vmem>>, vector<16xi32>,
        %gather3A = tpu.vector_load_idx %arg5[%get3A_82] : memref<100000xi32, #tpu.memory_space<vmem>>[vector<16xi32>], vector<16xi32>,
        %gather3A_87 = tpu.vector_load_idx %arg5[%get3A_86] : memref<100000xi32, #tpu.memory_space<vmem>>[vector<16xi32>], vector<16xi32>,
        %shift_right_logical3A = arith.shrui %gather3A, %broadcast_in_dim3A_7 : vector<16xi32>
        %shift_right_logical3A_88 = arith.shrui %gather3A_87, %broadcast_in_dim3A_7 : vector<16xi32>
        %shift_right_logical3A_89 = arith.shrui %gather3A, %broadcast_in_dim3A_9 : vector<16xi32>
        %and3A = arith.andi %shift_right_logical3A_89, %broadcast_in_dim3A_3 : vector<16xi32>
        %shift_right_logical3A_90 = arith.shrui %gather3A_87, %broadcast_in_dim3A_9 : vector<16xi32>
        %and3A_91 = arith.andi %shift_right_logical3A_90, %broadcast_in_dim3A_3 : vector<16xi32>
        %and3A_92 = arith.andi %gather3A, %broadcast_in_dim3A_5 : vector<16xi32>
        %and3A_93 = arith.andi %gather3A_87, %broadcast_in_dim3A_5 : vector<16xi32>
        %sub3A = arith.subi %shift_right_logical3A, %shift_right_logical3A_88 : vector<16xi32>
        %convert_element_type3A_94 = arith.sitofp %sub3A : vector<16xi32> to vector<16xf32>
        %sub3A_95 = arith.subi %and3A, %and3A_91 : vector<16xi32>
        %convert_element_type3A_96 = arith.sitofp %sub3A_95 : vector<16xi32> to vector<16xf32>
        %sub3A_97 = arith.subi %and3A_92, %and3A_93 : vector<16xi32>
        %convert_element_type3A_98 = arith.sitofp %sub3A_97 : vector<16xi32> to vector<16xf32>
        %mul3A_99 = arith.mulf %convert_element_type3A_94, %convert_element_type3A_94 : vector<16xf32>
        %mul3A_100 = arith.mulf %convert_element_type3A_96, %convert_element_type3A_96 : vector<16xf32>
        %add3A_101 = arith.addf %mul3A_99, %mul3A_100 : vector<16xf32>
        %mul3A_102 = arith.constant 2.38418579E-7 : f32
        %mul3A_103 = vector.broadcast %mul3A_102 : f32 to vector<16xf32>
        %mul3A_104 = arith.mulf %add3A_101, %mul3A_103 : vector<16xf32>
        %mul3A_105 = arith.mulf %convert_element_type3A_98, %convert_element_type3A_98 : vector<16xf32>
        %mul3A_106 = arith.constant 9.53674316E-7 : f32
        %mul3A_107 = vector.broadcast %mul3A_106 : f32 to vector<16xf32>
        %mul3A_108 = arith.mulf %mul3A_105, %mul3A_107 : vector<16xf32>
        %add3A_109 = arith.addf %mul3A_104, %mul3A_108 : vector<16xf32>
        %mul3A_110 = arith.constant -2.000000e+00 : f32
        %mul3A_111 = vector.broadcast %mul3A_110 : f32 to vector<16xf32>
        %mul3A_112 = arith.mulf %mul3A_111, %add3A_109 : vector<16xf32>
        %exp3A = math.exp %mul3A_112 : vector<16xf32>
        %mul3A_113 = arith.mulf %exp3A, %convert_element_type3A_94 : vector<16xf32>
        %add3A_114 = arith.addf %while3A_77, %mul3A_113 : vector<16xf32>
        %mul3A_115 = arith.mulf %exp3A, %convert_element_type3A_96 : vector<16xf32>
        %add3A_116 = arith.addf %while3A_78, %mul3A_115 : vector<16xf32>
        %mul3A_117 = arith.mulf %exp3A, %convert_element_type3A_98 : vector<16xf32>
        %add3A_118 = arith.addf %while3A_79, %mul3A_117 : vector<16xf32>
        scf.yield %add3A_114, %add3A_116, %add3A_118 : vector<16xf32>, vector<16xf32>, vector<16xf32>
      }
      scf.yield %while3A_75#0, %while3A_75#1, %while3A_75#2 : vector<16xf32>, vector<16xf32>, vector<16xf32>
    }
    %reduce_sum3A = arith.constant true
    %reduce_sum3A_21 = vector.broadcast %reduce_sum3A : i1 to vector<16xi1>
    %reduce_sum3A_22 = tpu.scan <sum>, %while3A_20#0 masked %reduce_sum3A_21 : vector<16xf32>, vector<16xi1> -> vector<16xf32>
    %reduce_sum3A_23 = vector.extract %reduce_sum3A_22[15] : f32 from vector<16xf32>
    %reduce_sum3A_24 = arith.constant true
    %reduce_sum3A_25 = vector.broadcast %reduce_sum3A_24 : i1 to vector<16xi1>
    %reduce_sum3A_26 = tpu.scan <sum>, %while3A_20#1 masked %reduce_sum3A_25 : vector<16xf32>, vector<16xi1> -> vector<16xf32>
    %reduce_sum3A_27 = vector.extract %reduce_sum3A_26[15] : f32 from vector<16xf32>
    %reduce_sum3A_28 = arith.constant true
    %reduce_sum3A_29 = vector.broadcast %reduce_sum3A_28 : i1 to vector<16xi1>
    %reduce_sum3A_30 = tpu.scan <sum>, %while3A_20#2 masked %reduce_sum3A_29 : vector<16xf32>, vector<16xi1> -> vector<16xf32>
    %reduce_sum3A_31 = vector.extract %reduce_sum3A_30[15] : f32 from vector<16xf32>
    %eq3A = arith.constant 0 : i32
    %eq3A_32 = vector.broadcast %eq3A : i32 to vector<16xi32>
    %eq3A_33 = arith.cmpi eq, %iota3A, %eq3A_32 : vector<16xi32>
    %eq3A_34 = arith.constant 1 : i32
    %eq3A_35 = vector.broadcast %eq3A_34 : i32 to vector<16xi32>
    %eq3A_36 = arith.cmpi eq, %iota3A, %eq3A_35 : vector<16xi32>
    %eq3A_37 = arith.constant 2 : i32
    %eq3A_38 = vector.broadcast %eq3A_37 : i32 to vector<16xi32>
    %eq3A_39 = arith.cmpi eq, %iota3A, %eq3A_38 : vector<16xi32>
    %jit3A = arith.constant 0.000000e+00 : f64
    %convert_element_type3A = arith.truncf %jit3A : f64 to f32
    %broadcast_in_dim3A_40 = vector.broadcast %reduce_sum3A_31 : f32 to vector<16xf32>
    %broadcast_in_dim3A_41 = vector.broadcast %convert_element_type3A : f32 to vector<16xf32>
    %select_n3A = arith.select %eq3A_39, %broadcast_in_dim3A_40, %broadcast_in_dim3A_41 : vector<16xi1>, vector<16xf32>
    %broadcast_in_dim3A_42 = vector.broadcast %reduce_sum3A_27 : f32 to vector<16xf32>
    %select_n3A_43 = arith.select %eq3A_36, %broadcast_in_dim3A_42, %select_n3A : vector<16xi1>, vector<16xf32>
    %broadcast_in_dim3A_44 = vector.broadcast %reduce_sum3A_23 : f32 to vector<16xf32>
    %select_n3A_45 = arith.select %eq3A_33, %broadcast_in_dim3A_44, %select_n3A_43 : vector<16xi1>, vector<16xf32>
    %swap3A = arith.constant 0 : index
    %swap3A_46 = tpu.vector_load %arg8[%swap3A] {strides = array<i32>} : memref<16xf32, #tpu.memory_space<vmem>>, vector<16xf32>,
    tpu.vector_store %arg8[%swap3A], %select_n3A_45 {strides = array<i32>} : memref<16xf32, #tpu.memory_space<vmem>>, vector<16xf32>,
    "tpu.region"() ({
      %run_scoped3A = tpu.sem_alloc : memref<!tpu.dma_semaphore, #tpu.memory_space<semaphore_mem>>
      %dma_start3A = arith.constant 0 : i32
      %dma_start3A_47 = tpu.memref_slice %arg4[%add3A, %dma_start3A] : memref<32x16xf32, #tpu.memory_space<hbm>> -> memref<1x16xf32, #tpu.memory_space<hbm>>
      %dma_start3A_48 = tpu.memref_squeeze %dma_start3A_47 : memref<1x16xf32, #tpu.memory_space<hbm>> -> memref<16xf32, #tpu.memory_space<hbm>>
      %dma_start3A_49 = arith.constant 0 : i32
      %dma_start3A_50 = tpu.memref_slice %arg4[%add3A, %dma_start3A_49] : memref<32x16xf32, #tpu.memory_space<hbm>> -> memref<1x16xf32, #tpu.memory_space<hbm>>
      %dma_start3A_51 = tpu.memref_squeeze %dma_start3A_50 : memref<1x16xf32, #tpu.memory_space<hbm>> -> memref<16xf32, #tpu.memory_space<hbm>>
      tpu.enqueue_dma source(%arg8 : memref<16xf32, #tpu.memory_space<vmem>>) target(%dma_start3A_51 : memref<16xf32, #tpu.memory_space<hbm>>) target_semaphore(%run_scoped3A : memref<!tpu.dma_semaphore, #tpu.memory_space<semaphore_mem>>)
      %dma_wait3A = arith.constant 0 : i32
      %dma_wait3A_52 = tpu.memref_slice %arg4[%add3A, %dma_wait3A] : memref<32x16xf32, #tpu.memory_space<hbm>> -> memref<1x16xf32, #tpu.memory_space<hbm>>
      %dma_wait3A_53 = tpu.memref_squeeze %dma_wait3A_52 : memref<1x16xf32, #tpu.memory_space<hbm>> -> memref<16xf32, #tpu.memory_space<hbm>>
      %dma_wait3A_54 = arith.constant 0 : i32
      %dma_wait3A_55 = tpu.memref_slice %arg4[%add3A, %dma_wait3A_54] : memref<32x16xf32, #tpu.memory_space<hbm>> -> memref<1x16xf32, #tpu.memory_space<hbm>>
      %dma_wait3A_56 = tpu.memref_squeeze %dma_wait3A_55 : memref<1x16xf32, #tpu.memory_space<hbm>> -> memref<16xf32, #tpu.memory_space<hbm>>
      tpu.wait_dma2 semaphore(%run_scoped3A : memref<!tpu.dma_semaphore, #tpu.memory_space<semaphore_mem>>) src(%arg8 : memref<16xf32, #tpu.memory_space<vmem>>) dst(%dma_wait3A_56 : memref<16xf32, #tpu.memory_space<hbm>>)
      tpu.yield
    }) : () -> ()
    return
  }
}

</mosaic_0001>

<sc_bundles>
// kernel: kernel.3.cloned.1.call-start
scs
__scs_entry_jumppad:
0x0: {  	(pc) =	sbr.rel $0x88, $3  }
0x1: {  	(tag) =	ssettag $0x0;
	lr =	simm.s32 $0x1  }
0x2: {  	[smem:$0x3F9F] =	sst lr;
	_ =	strace $0xD0000000  }
0x3: {  	_ = 	snop  }
0x4: {  	_ = 	snop  }
0x5: {  	_ = 	snop  }
0x6: {  	_ = 	snop  }
0x7: {  	_ = 	snop  }
__scs_overlays_trampoline_lowered:
0x8: {  	[smem:$0x3FAE] =	sst s0  }
0x9: {  	[smem:$0x3FAF] =	sst s1  }
0xa: {  	[smem:$0x3FB0] =	sst s2  }
0xb: {  	[smem:$0x3FB1] =	sst s3  }
0xc: {  	[smem:$0x3FB2] =	sst s4  }
0xd: {  	[smem:$0x3FB3] =	sst s5  }
0xe: {  	[smem:$0x3FB4] =	sst s6  }
0xf: {  	[smem:$0x3FB5] =	sst s7  }
0x10: {  	[smem:$0x3FB6] =	sst s8  }
0x11: {  	[smem:$0x3FB7] =	sst s9;
	s0 =	simm.s32 @!p0 $0x0  }
0x12: {  	s1 =	sld [smem:$0x3F9D];
	s0 =	simm.s32 @p0 $0x1  }
0x13: {  	[smem:$0x3FB8] =	sst s0;
	s0 =	simm.s32 @!p1 $0x0  }
0x14: {  	s2 =	sld [smem:$0x3F9C];
	s0 =	simm.s32 @p1 $0x1  }
0x15: {  	[smem:$0x3FB9] =	sst s0;
	s0 =	simm.s32 @!p2 $0x0  }
0x16: {  	s3 =	sld [smem:$0x3FDB];
	s0 =	simm.s32 @p2 $0x1  }
0x17: {  	s4 =	simm.s32 $0x1BF5;
	[smem:$0x3FBB] =	sst s0  }
0x18: {  	s0 =	sld [smem:$0x3F9E];
	_ =	swait.ge [sflag:s4], $0x0  }
0x19: {  	s7 =	sld [smem:$0x3F9F]  }
0x1a: {  	s8 =	sadd.s32 $0xFFFFE003, lr  }
0x1b: {  	s9 =	sadd.s32 $0xFFFFFEF7, lr;
	s5 =	simm.s32 $0xFFFFFFFF;
	p2 =	slt.u32 s8, $0xFFFFF086  }
0x1c: {  	p1 =	slt.u32 s9, $0xF7A;
	s5 =	simm.s32 @!p2 $0x0  }
0x1d: {  	s5 =	simm.s32 @p1 $0x1;
	p0 =	seq.s32 s7, s2  }
0x1e: {  	s7 =	smul.u32 @!p0 $0xF7A, s2;
	p2 =	seq.s32 @!p0 s5, $0x0  }
0x1f: {  	s9 =	smul.u32 $0xF7A, s1;
	s8 =	simm.s32 @!p0 $0x1BF5;
	p2 =	por !p2, p0  }
0x20: {  	[sflag:s8] =	ssyncset.s32 @!p0 $0xFFFFF086;
	s6 =	sadd.s32 @!p0 s3, s7;
	s7 =	simm.s32 @!p0 $0x108  }
0x21: {  	s3 =	sadd.s32 s3, s9;
	s6 =	sadd.s32 @!p0 $0x88, s6;
	s7 =	simm.s32 @p2 $0x1082  }
0x22: {  	[simem:s7], [sflag:s8] =	dma.local @!p0 [hbm:s6], $0xF7A  }
0x23: {  	s9 =	sor.u32 $0xD0000000, s2;
	s6 =	simm.s32 $0x108;
	_ =	swait.ge @!p0 [sflag:s8], $0x0  }
0x24: {  	s3 =	sadd.s32 $0x88, s3;
	s6 =	simm.s32 @!p1 $0x1082;
	[sflag:s4] =	ssyncset.s32 $0xFFFFF086  }
0x25: {  	[simem:s6], [sflag:s4] =	dma.local [hbm:s3], $0xF7A  }
0x26: {  	[smem:$0x3F9F] =	sst s1;
	(tag) =	ssettag s2;
	_ =	strace s9  }
0x27: {  	s1 =	sld [smem:$0x3FAF]  }
0x28: {  	s2 =	sld [smem:$0x3FB0]  }
0x29: {  	s4 =	sld [smem:$0x3FB2]  }
0x2a: {  	p0 =	seq.s32 s5, $0x0;
	s5 =	sld [smem:$0x3FB3]  }
0x2b: {  	s6 =	sld [smem:$0x3FB4]  }
0x2c: {  	s7 =	sld [smem:$0x3FB5]  }
0x2d: {  	s3 =	simm.s32 $0x108;
	s8 =	sld [smem:$0x3FB6]  }
0x2e: {  	s3 =	simm.s32 @!p0 $0x1082;
	s9 =	sld [smem:$0x3FB7]  }
0x2f: {  	lr =	sadd.s32 s0, s3;
	s0 =	sld [smem:$0x3FAE]  }
0x30: {  	s3 =	sld [smem:$0x3FB1]  }
0x31: {  	[smem:$0x3FBA] =	sst s10  }
0x32: {  	s10 =	sld [smem:$0x3FB8];
	_ =	sdelay $0x3  }
0x33: {  	p0 =	seq.s32 s10, $0x1;
	s10 =	sld [smem:$0x3FBA];
	_ =	sdelay $0x3  }
0x34: {  	[smem:$0x3FBA] =	sst s10  }
0x35: {  	s10 =	sld [smem:$0x3FB9];
	_ =	sdelay $0x3  }
0x36: {  	p1 =	seq.s32 s10, $0x1;
	s10 =	sld [smem:$0x3FBA];
	_ =	sdelay $0x3  }
0x37: {  	[smem:$0x3FBA] =	sst s10  }
0x38: {  	s10 =	sld [smem:$0x3FBB]  }
0x39: {  	_ = 	snop;
	(pc) =	sbr.ind lr, $3  }
0x3a: {  	_ = 	snop  }
0x3b: {  	_ = 	snop  }
0x3c: {  	p2 =	seq.s32 s10, $0x1;
	s10 =	sld [smem:$0x3FBA]  }
0x3d: {  	_ =	shalt  }
0x3e: {  	_ =	shalt  }
0x3f: {  	_ =	shalt  }
0x40: {  	_ =	shalt  }
0x41: {  	_ =	shalt  }
0x42: {  	_ =	shalt  }
0x43: {  	_ =	shalt  }
0x44: {  	_ =	shalt  }
0x45: {  	_ =	shalt  }
0x46: {  	_ =	shalt  }
0x47: {  	_ =	shalt  }
0x48: {  	_ =	shalt  }
0x49: {  	_ =	shalt  }
0x4a: {  	_ =	shalt  }
0x4b: {  	_ =	shalt  }
0x4c: {  	_ =	shalt  }
0x4d: {  	_ =	shalt  }
0x4e: {  	_ =	shalt  }
0x4f: {  	_ =	shalt  }
0x50: {  	_ =	shalt  }
0x51: {  	_ =	shalt  }
0x52: {  	_ =	shalt  }
0x53: {  	_ =	shalt  }
0x54: {  	_ =	shalt  }
0x55: {  	_ =	shalt  }
0x56: {  	_ =	shalt  }
0x57: {  	_ =	shalt  }
0x58: {  	_ =	shalt  }
0x59: {  	_ =	shalt  }
0x5a: {  	_ =	shalt  }
0x5b: {  	_ =	shalt  }
0x5c: {  	_ =	shalt  }
0x5d: {  	_ =	shalt  }
0x5e: {  	_ =	shalt  }
0x5f: {  	_ =	shalt  }
0x60: {  	_ =	shalt  }
0x61: {  	_ =	shalt  }
0x62: {  	_ =	shalt  }
0x63: {  	_ =	shalt  }
0x64: {  	_ =	shalt  }
0x65: {  	_ =	shalt  }
0x66: {  	_ =	shalt  }
0x67: {  	_ =	shalt  }
0x68: {  	_ =	shalt  }
0x69: {  	_ =	shalt  }
0x6a: {  	_ =	shalt  }
0x6b: {  	_ =	shalt  }
0x6c: {  	_ =	shalt  }
0x6d: {  	_ =	shalt  }
0x6e: {  	_ =	shalt  }
0x6f: {  	_ =	shalt  }
0x70: {  	_ =	shalt  }
0x71: {  	_ =	shalt  }
0x72: {  	_ =	shalt  }
0x73: {  	_ =	shalt  }
0x74: {  	_ =	shalt  }
0x75: {  	_ =	shalt  }
0x76: {  	_ =	shalt  }
0x77: {  	_ =	shalt  }
0x78: {  	_ =	shalt  }
0x79: {  	_ =	shalt  }
0x7a: {  	_ =	shalt  }
0x7b: {  	_ =	shalt  }
0x7c: {  	_ =	shalt  }
0x7d: {  	_ =	shalt  }
0x7e: {  	_ =	shalt  }
0x7f: {  	_ =	shalt  }
0x80: {  	_ =	shalt  }
0x81: {  	_ =	shalt  }
0x82: {  	_ =	shalt  }
0x83: {  	_ =	shalt  }
0x84: {  	_ =	shalt  }
0x85: {  	_ =	shalt  }
0x86: {  	_ =	shalt  }
0x87: {  	_ =	shalt  }
.Lfunc_end0:
.L_simem_size_0:
called_computation.1_lowered:
.L_overlay_start_0:
0x88: {  	s2 =	sld [smem:$0x3FD9]  }
0x89: {  	s3 =	sld [smem:$0x3FFE];
	_ =	sdelay $0x1  }
0x8a: {  	s1 =	srdreg.scid  }
0x8b: {  	s0 =	sand.u32 $0x1, s1  }
0x8c: {  	s16 =	sshll.u32 s0, $0xA;
	s2 =	sadd.s32 s3, s2  }
0x8d: {  	s2 =	sadd.s32 s2, s16  }
0x8e: {  	[smem:$0x3FC6] =	sst s2  }
0x8f: {  	_ = 	snop  }
0x90: {  	(tm) =	ssettm $0x1  }
0x91: {  	s17 =	sld [smem:$0x3FFB];
	_ =	sdelay $0x3  }
0x92: {  	_ =	strace s17  }
0x93: {  	s2 =	sld [smem:$0x3FFC];
	_ =	sdelay $0x3  }
0x94: {  	_ =	strace s2  }
0x95: {  	s2 =	sld [smem:$0x3FFD];
	_ =	sdelay $0x3  }
0x96: {  	_ =	strace s2  }
0x97: {  	_ =	strace $0x8FFFFFFF  }
0x98: {  	s18 =	sld [smem:$0x3FDB];
	_ =	sdelay $0x1  }
0x99: {  	s19 =	simm.s32 $_scs_section_size  }
0x9a: {  	s4 =	simm.s32 $_size__tile_overlayer_lowered;
	s5 =	simm.s32 $_tile_overlayer_lowered  }
0x9b: {  	s22 =	simm.s32 $0x1BFF;
	s21 =	sshll.u32 s5, $0x1;
	s2 =	sadd.s32 s19, s18  }
0x9c: {  	s6 =	simm.s32 $0x0;
	s20 =	sshll.u32 s4, $0x1;
	s4 =	sadd.s32 s21, s2  }
0x9d: {  	[timem:s6], [sflag:s22] =	dma.local [hbm:s4], s20  }
0x9e: {  	_ =	swait.ge [sflag:s22], s20  }
0x9f: {  	s3 =	ssub.s32 $0x0, s20;
	[sflag:s22] =	ssyncset.done $0x0  }
0xa0: {  	[sflag:s22] =	ssyncadd.s32 s3;
	_ =	sdelay $0x1  }
0xa1: {  	s23 =	simm.s32 $0x1B8B  }
0xa2: {  	_ =	swait.ge [sflag:s23], $0x1  }
0xa3: {  	[sflag:s23] =	ssyncset.done $0x0  }
0xa4: {  	s25 =	simm.s32 $0x1B8E;
	s24 =	sld [smem:$0x3FFE];
	[sflag:s23] =	ssyncadd.s32 $0xFFFFFFFF  }
0xa5: {  	s26 =	simm.s32 $execute0_lowered;
	[smem:$0x3FD2] =	sst s25  }
0xa6: {  	s4 =	sshll.u32 s26, $0x1;
	_ =	strace $0x80000049;
	[dreg:$0x1] =	wrdreg $0xFFFFFFFF  }
0xa7: {  	s28 =	simm.s32 $_size_execute0_lowered;
	s2 =	sadd.s32 s2, s4;
	[dreg:$0x0] =	wrdreg $0x0  }
0xa8: {  	s4 =	sshll.u32 s28, $0x1;
	[dreg:$0x2] =	wrdreg s2  }
0xa9: {  	[dreg:$0x3] =	wrdreg s4  }
0xaa: {  	[dreg:$0x4] =	wrdreg $0xC0  }
0xab: {  	_ =	task [dreg:s6], $0x5FFFF  }
0xac: {  	[dreg:$0x1] =	wrdreg $0xFFFFFFFF  }
0xad: {  	[dreg:$0x0] =	wrdreg $0x60  }
0xae: {  	[dreg:$0x2] =	wrdreg s24  }
0xaf: {  	[dreg:$0x3] =	wrdreg $0x9  }
0xb0: {  	_ =	task.clear_ibuf [dreg:s6], $0x4FFFF;
	_ =	strace $0x90000049  }
0xb1: {  	s29 =	simm.s32 $0x9;
	_ =	strace $0x8000004B  }
0xb2: {  	_ =	swait.ge [sflag:s29], $0x1  }
0xb3: {  	[sflag:s29] =	ssyncadd.s32 $0xFFFFFFFF  }
0xb4: {  	_ =	strace $0x9000004B  }
0xb5: {  	_ =	sfence  }
0xb6: {  	s30 =	sld [smem:$0x0];
	_ =	sdelay $0x2  }
0xb7: {  	s31 =	sshll.u32 s1, $0xD;
	s1 =	sshrl.u32 s1, $0x2  }
0xb8: {  	s3 =	sand.u32 $0x4000, s31;
	s1 =	sadd.s32 s1, s30  }
0xb9: {  	s0 =	sor.u32 s3, s0;
	s1 =	sshll.u32 s1, $0x11  }
0xba: {  	s0 =	sor.u32 s1, s0  }
0xbb: {  	s0 =	sadd.s32 $0x8F2B, s0  }
0xbc: {  	[sflag:s0] =	ssyncadd.remote.s32 $0x1  }
0xbd: {  	_ =	sfence.sel $0xFFFF  }
0xbe: {  	[dreg:$0x0] =	wrdreg $0xFFFFFFFF;
	(pc) =	sbr.abs _section_cstart, $3  }
0xbf: {  	[dreg:$0x1] =	wrdreg $0xFFFFFFFF  }
0xc0: {  	_ =	task.clear_ibuf [dreg:s6], $0x2FFFF;
	_ =	strace $0x9FFFFFFF  }
0xc1: {  	(tm) =	ssettm $0x7FFFFFFF  }
tec
execute0_lowered:
.L_overlay_start_1:
0x0: {  	(tag) =	ssettag $0x1  }
0x1: {  	s1 =	rddreg [dreg:$0x0];
	s2 =	srdreg.scid  }
0x2: {  	s0 =	rddreg [dreg:$0x1];
	s3 =	simm.s32 $0x0;
	s9 =	simm.s32 $0x186A0  }
0x3: {  	s10 =	simm.s32 $0x1ADB0;
	s11 =	simm.s32 $0x1;
	s12 =	simm.s32 $0x2  }
0x4: {  	s13 =	simm.s32 $0x1D4C0;
	s14 =	simm.s32 $0x0;
	s4 =	sand.u32 $0x1, s2  }
0x5: {  	[smem:$0x7FF] =	sst s3;
	s2 =	stileid.u32;
	s5 =	sshll.u32 s4, $0x4  }
0x6: {  	_ =	strace $0x8000004A;
	s6 =	ssub.s32 $0x2, s4;
	s5 =	sor.u32 s2, s5  }
0x7: {  	s4 =	sadd.s32 $0x30D400, s1;
	s8 =	sshrl.u32 s6, $0x1;
	s7 =	sshll.u32 s5, $0x1  }
0x8: {  	s8 =	ssub.s32 s6, s8;
	s5 =	smul.u32 $0x30D40, s5;
	s7 =	sadd.s32 s7, s1  }
0x9: {  	vm0 =	vcmask $0xB08;
	vm1 =	vcmask $0x3F08;
	vm2 =	vcmask $0x3F04;
	s6 =	sadd.s32 $0x186A00, s7;
	s7 =	smax.u32 s8, $0x1;
	s8 =	simm.s32 $0x3  }
.LBB2_1:
0xa: {  	[tilespmem:s3], [sflag:$0x3] =	stream.linear.gather [hbm4b:s4+s3], $0x186A0, $0x38;
	[tilespmem:$0x1D4D0] =	vst v63  }
0xb: {  	_ =	swait.ge [sflag:s8], $0x186A0  }
0xc: {  	[sflag:s8] =	ssyncset.done $0x0  }
0xd: {  	v0 =	vimm.f32 $0.0e+00;
	v1 =	vimm.f32 $0.0e+00;
	v2 =	vimm.f32 $0.0e+00;
	s15 =	simm.s32 $0x0;
	[sflag:s8] =	ssyncadd.s32 $0xFFFE7960  }
.LBB2_2:
0xe: {  	s16 =	smul.u32 $0x2710, s15;
	_ =	sdelay $0x1  }
0xf: {  	s16 =	sadd.s32 s5, s16  }
0x10: {  	s16 =	sshrl.u32 s16, $0x3  }
0x11: {  	s17 =	simm.s32 $0x0;
	s16 =	sadd.s32 s1, s16  }
0x12: {  	[tilespmem:s9], [sflag:$0x1] =	stream.linear.gather [hbm4b:s16+s17], $0x2710, $0x38;
	[tilespmem:$0x1D4D0] =	vst v63  }
0x13: {  	s16 =	sadd.s32 $0xC3500, s16  }
0x14: {  	[tilespmem:s10], [sflag:$0x2] =	stream.linear.gather [hbm4b:s16+s17], $0x2710, $0x38;
	[tilespmem:$0x1D4D0] =	vst v63  }
0x15: {  	_ =	swait.ge [sflag:s11], $0x2710  }
0x16: {  	[sflag:s11] =	ssyncset.done $0x0  }
0x17: {  	[sflag:s11] =	ssyncadd.s32 $0xFFFFD8F0  }
0x18: {  	_ =	swait.ge [sflag:s12], $0x2710  }
0x19: {  	[sflag:s12] =	ssyncset.done $0x0  }
0x1a: {  	s25 =	simm.s32 $0x0;
	[sflag:s12] =	ssyncadd.s32 $0xFFFFD8F0  }
0x1b: {  	v3 =	vld [tilespmem:s25+$0x186A0]  }
0x1c: {  	v4 =	vld [tilespmem:s25+$0x1ADB0];
	_ =	sdelay $0x3  }
0x1d: {  	s26 =	simm.s32 $0x10  }
0x1e: {  	v5 =	vld [tilespmem:s26+$0x186A0]  }
0x1f: {  	v6 =	vld [tilespmem:s26+$0x1ADB0]  }
0x20: {  	v3 =	vld.idx.msk [tilespmem:v3+s3+$0x0], $0xffff  }
0x21: {  	v4 =	vld.idx.msk [tilespmem:v4+s3+$0x0], $0xffff  }
0x22: {  	s28 =	simm.s32 $0x20  }
0x23: {  	v9 =	vld [tilespmem:s28+$0x186A0];
	_ =	sdelay $0x1  }
0x24: {  	v10 =	vld [tilespmem:s28+$0x1ADB0]  }
0x25: {  	v5 =	vld.idx.msk [tilespmem:v5+s3+$0x0], $0xffff;
	v7 =	vshrl.u32 v3, $0xA;
	v8 =	vshrl.u32 v4, $0xA  }
0x26: {  	v7 =	vand.u32 $0x7FF, v7;
	v8 =	vand.u32 $0x7FF, v8  }
0x27: {  	v7 =	vsub.s32 v7, v8;
	v8 =	vld.idx.msk [tilespmem:v6+s3+$0x0], $0xffff  }
0x28: {  	v11 =	vand.u32 $0x3FF, v3;
	v12 =	vand.u32 $0x3FF, v4;
	v4 =	vshrl.u32 v4, $0x15  }
0x29: {  	v6 =	vcvt.s32.f32 v7;
	v7 =	vsub.s32 v11, v12;
	v11 =	vshrl.u32 v3, $0x15  }
0x2a: {  	s29 =	simm.s32 $0x30;
	v9 =	vld.idx.msk [tilespmem:v9+s3+$0x0], $0xffff;
	v13 =	vshrl.u32 v5, $0x15;
	v3 =	vcvt.s32.f32 v7;
	v4 =	vsub.s32 v11, v4  }
0x2b: {  	v14 =	vshrl.u32 v5, $0xA;
	v18 =	vand.u32 $0x3FF, v5;
	v12 =	vld [tilespmem:s29+$0x186A0];
	v4 =	vcvt.s32.f32 v4  }
0x2c: {  	v16 =	vld [tilespmem:s29+$0x1ADB0];
	v14 =	vand.u32 $0x7FF, v14;
	v11 =	vmul.f32 v3, v3;
	v15 =	vshrl.u32 v8, $0xA  }
0x2d: {  	v10 =	vld.idx.msk [tilespmem:v10+s3+$0x0], $0xffff;
	v7 =	vmul.f32 v6, v6;
	v17 =	vmul.f32 v4, v4;
	v15 =	vand.u32 $0x7FF, v15  }
0x2e: {  	v19 =	vand.u32 $0x3FF, v8;
	v11 =	vmul.f32 $9.536743160e-07, v11;
	v5 =	vsub.s32 v14, v15  }
0x2f: {  	v14 =	vsub.s32 v18, v19;
	v7 =	vadd.f32 v7, v17;
	v15 =	vshrl.u32 v8, $0x15  }
0x30: {  	v17 =	vshrl.u32 v9, $0x15;
	v18 =	vshrl.u32 v9, $0xA;
	v5 =	vcvt.s32.f32 v5  }
0x31: {  	v8 =	vcvt.s32.f32 v14;
	v13 =	vsub.s32 v13, v15;
	v15 =	vmul.f32 $2.384185790e-07, v7  }
0x32: {  	v19 =	vshrl.u32 v10, $0xA;
	v7 =	vcvt.s32.f32 v13;
	v14 =	vmul.f32 v5, v5  }
0x33: {  	s30 =	simm.s32 $0x40;
	v12 =	vld.idx.msk [tilespmem:v12+s3+$0x0], $0xffff;
	v13 =	vmul.f32 v8, v8;
	v11 =	vadd.f32 v15, v11;
	v15 =	vand.u32 $0x7FF, v18  }
0x34: {  	v21 =	vld [tilespmem:s30+$0x1ADB0];
	v18 =	vand.u32 $0x7FF, v19;
	v19 =	vand.u32 $0x3FF, v9;
	v20 =	vmul.f32 v7, v7  }
0x35: {  	v16 =	vld.idx.msk [tilespmem:v16+s3+$0x0], $0xffff;
	v9 =	vsub.s32 v15, v18;
	v18 =	vand.u32 $0x3FF, v10;
	v13 =	vmul.f32 $9.536743160e-07, v13  }
0x36: {  	v15 =	vld [tilespmem:s30+$0x186A0];
	v10 =	vshrl.u32 v10, $0x15;
	v9 =	vcvt.s32.f32 v9;
	v18 =	vsub.s32 v19, v18  }
0x37: {  	v19 =	vmul.f32 $-2.000000000e+00, v11;
	v14 =	vadd.f32 v14, v20;
	v10 =	vsub.s32 v17, v10  }
0x38: {  	v11 =	vcvt.s32.f32 v18;
	v10 =	vcvt.s32.f32 v10;
	v22 =	vshrl.u32 v12, $0xA  }
0x39: {  	v23 =	vand.u32 $0x3FF, v12;
	v20 =	vmul.f32 v9, v9;
	v14 =	vmul.f32 $2.384185790e-07, v14  }
0x3a: {  	v17 =	vmul.f32 $1.442695020e+00, v19;
	v19 =	vshrl.u32 v12, $0x15;
	v22 =	vand.u32 $0x7FF, v22  }
0x3b: {  	v18 =	vmul.f32 v11, v11;
	v13 =	vadd.f32 v14, v13;
	v14 =	vshrl.u32 v16, $0xA  }
0x3c: {  	(erf) = vpow2.f32 v17;
	v17 =	vand.u32 $0x3FF, v16;
	v12 =	vand.u32 $0x7FF, v14  }
0x3d: {  	v14 =	vmul.f32 v10, v10;
	v17 =	vsub.s32 v23, v17;
	v12 =	vsub.s32 v22, v12;
	v22 =	vld.idx.msk [tilespmem:v21+s3+$0x0], $0xffff  }
0x3e: {  	s31 =	simm.s32 $0x50;
	v21 =	vmul.f32 $-2.000000000e+00, v13;
	v13 =	vcvt.s32.f32 v17;
	v15 =	vld.idx.msk [tilespmem:v15+s3+$0x0], $0xffff  }
0x3f: {  	v26 =	vld [tilespmem:s31+$0x186A0];
	v12 =	vcvt.s32.f32 v12;
	v14 =	vadd.f32 v20, v14;
	v20 =	vshrl.u32 v16, $0x15  }
0x40: {  	v18 =	vmul.f32 $9.536743160e-07, v18;
	v17 =	vsub.s32 v19, v20;
	v20 =	vmul.f32 $1.442695020e+00, v21;
	v21 =	vld [tilespmem:s31+$0x1ADB0]  }
0x41: {  	v27 =	vmul.f32 v13, v13;
	v16 =	vmul.f32 v12, v12  }
0x42: {  	v19 =	vmul.f32 $2.384185790e-07, v14;
	v14 =	vcvt.s32.f32 v17  }
0x43: {  	(erf) = vpow2.f32 v20;
	v20 =	vmul.f32 $9.536743160e-07, v27;
	v17 =	vshrl.u32 v15, $0xA  }
0x44: {  	v18 =	vadd.f32 v19, v18;
	v19 =	vshrl.u32 v22, $0xA;
	v17 =	vand.u32 $0x7FF, v17  }
0x45: {  	v24 =	vmul.f32 v14, v14;
	v28 =	vshrl.u32 v15, $0x15;
	v19 =	vand.u32 $0x7FF, v19  }
0x46: {  	v23 =	vand.u32 $0x3FF, v15;
	v15 =	vshrl.u32 v22, $0x15;
	v29 =	vsub.s32 v17, v19  }
0x47: {  	s16 =	simm.s32 $0x180;
	v25 =	vand.u32 $0x3FF, v22;
	v22 =	vsub.s32 v28, v15;
	v19 =	vld.idx.msk [tilespmem:v26+s3+$0x0], $0xffff;
	v15 =	vcvt.s32.f32 v29;
	v17 =	vpop (erf)  }
.LBB2_3:
0x48: {  	s17 =	sshra.s32 s16, $0x2;
	p0 =	sne.s32 s16, $0x9C00;
	s16 =	sadd.s32 $0x40, s16;
	v26 =	vld.idx.msk [tilespmem:v21+s3+$0x0], $0xffff;
	v23 =	vsub.s32 v23, v25;
	v18 =	vmul.f32 $-2.000000000e+00, v18;
	v25 =	vmul.f32 v3, v17;
	v3 =	vmovc v8  }
0x49: {  	v24 =	vadd.f32 v16, v24;
	v30 =	vmul.f32 v6, v17;
	v8 =	vmovc v11;
	v27 =	vld [tilespmem:s17+$0x186A0];
	v16 =	vmul.f32 v15, v15  }
0x4a: {  	v17 =	vmul.f32 v4, v17;
	v11 =	vmovc v13;
	v4 =	vmovc v7;
	v13 =	vcvt.s32.f32 v23;
	v21 =	vld [tilespmem:s17+$0x1ADB0];
	v0 =	vadd.f32 v25, v0  }
0x4b: {  	v7 =	vmovc v10;
	v10 =	vmovc v14;
	v23 =	vmul.f32 $2.384185790e-07, v24;
	v28 =	vmul.f32 $1.442695020e+00, v18;
	v1 =	vadd.f32 v30, v1  }
0x4c: {  	v14 =	vcvt.s32.f32 v22;
	v6 =	vmovc v5;
	v5 =	vmovc v9;
	v2 =	vadd.f32 v17, v2;
	v29 =	vmul.f32 v13, v13  }
.Ltmp0:
0x4d: {  	v9 =	vmovc v12;
	v12 =	vmovc v15;
	v22 =	vshrl.u32 v19, $0x15;
	v30 =	vshrl.u32 v19, $0xA;
	v18 =	vadd.f32 v23, v20;
	(pc) =	sbr.rel @p0 .LBB2_3-.Ltmp0, $4  }
0x4e: {  	v23 =	vand.u32 $0x3FF, v19;
	v15 =	vand.u32 $0x7FF, v30;
	v25 =	vshrl.u32 v26, $0xA  }
0x4f: {  	v24 =	vmul.f32 v14, v14;
	v20 =	vshrl.u32 v26, $0x15;
	v19 =	vand.u32 $0x7FF, v25;
	v17 =	vpop (erf)  }
0x50: {  	v25 =	vand.u32 $0x3FF, v26;
	v15 =	vsub.s32 v15, v19;
	(erf) = vpow2.f32 v28  }
0x51: {  	v22 =	vsub.s32 v22, v20;
	v20 =	vmul.f32 $9.536743160e-07, v29;
	v15 =	vcvt.s32.f32 v15;
	v19 =	vld.idx.msk [tilespmem:v27+s3+$0x0], $0xffff  }
0x52: {  	_ =	sdelay $0x3  }
0x53: {  	v21 =	vld.idx.msk [tilespmem:v21+s3+$0x0], $0xffff;
	_ =	sdelay $0x1  }
0x54: {  	v23 =	vsub.s32 v23, v25;
	v16 =	vadd.f32 v16, v24;
	v22 =	vcvt.s32.f32 v22  }
0x55: {  	v33 =	vmul.f32 v15, v15;
	v23 =	vcvt.s32.f32 v23  }
0x56: {  	v16 =	vmul.f32 $2.384185790e-07, v16;
	v37 =	vmul.f32 v22, v22;
	v34 =	vshrl.u32 v19, $0xA  }
0x57: {  	v27 =	vshrl.u32 v19, $0x15;
	v35 =	vand.u32 $0x3FF, v19;
	v26 =	vshrl.u32 v21, $0xA  }
0x58: {  	v25 =	vand.u32 $0x7FF, v34;
	v28 =	vshrl.u32 v21, $0x15;
	v26 =	vand.u32 $0x7FF, v26  }
0x59: {  	v21 =	vand.u32 $0x3FF, v21;
	v36 =	vsub.s32 v27, v28;
	v25 =	vsub.s32 v25, v26  }
0x5a: {  	v19 =	vsub.s32 v35, v21;
	v26 =	vcvt.s32.f32 v36;
	v25 =	vcvt.s32.f32 v25  }
0x5b: {  	v38 =	vmul.f32 v23, v23;
	v19 =	vcvt.s32.f32 v19  }
0x5c: {  	v24 =	vadd.f32 v33, v37;
	v40 =	vmul.f32 v26, v26;
	v39 =	vmul.f32 v25, v25  }
0x5d: {  	v18 =	vmul.f32 $-2.000000000e+00, v18;
	v16 =	vadd.f32 v16, v20;
	v41 =	vmul.f32 $9.536743160e-07, v38  }
0x5e: {  	v24 =	vmul.f32 $2.384185790e-07, v24;
	v42 =	vmul.f32 v19, v19;
	v21 =	vadd.f32 v39, v40  }
0x5f: {  	v18 =	vmul.f32 $1.442695020e+00, v18;
	v16 =	vmul.f32 $-2.000000000e+00, v16  }
0x60: {  	v20 =	vadd.f32 v24, v41;
	v43 =	vmul.f32 $9.536743160e-07, v42;
	v21 =	vmul.f32 $2.384185790e-07, v21  }
0x61: {  	(erf) = vpow2.f32 v18;
	v16 =	vmul.f32 $1.442695020e+00, v16  }
0x62: {  	v44 =	vmul.f32 $-2.000000000e+00, v20;
	v45 =	vadd.f32 v21, v43  }
0x63: {  	(erf) = vpow2.f32 v16  }
0x64: {  	v46 =	vmul.f32 $1.442695020e+00, v44;
	v47 =	vmul.f32 $-2.000000000e+00, v45;
	_ =	sdelay $0x1  }
0x65: {  	(erf) = vpow2.f32 v46;
	v48 =	vmul.f32 $1.442695020e+00, v47  }
0x66: {  	v3 =	vmul.f32 v3, v17;
	v6 =	vmul.f32 v6, v17  }
0x67: {  	v4 =	vmul.f32 v4, v17;
	v49 =	vpop (erf);
	(erf) = vpow2.f32 v48  }
0x68: {  	v0 =	vadd.f32 v3, v0;
	v1 =	vadd.f32 v6, v1;
	v3 =	vmul.f32 v8, v49  }
0x69: {  	v2 =	vadd.f32 v4, v2;
	v51 =	vmul.f32 v5, v49;
	v52 =	vmul.f32 v7, v49;
	v50 =	vpop (erf)  }
0x6a: {  	v0 =	vadd.f32 v3, v0;
	v3 =	vmul.f32 v11, v50  }
0x6b: {  	v1 =	vadd.f32 v51, v1;
	v2 =	vadd.f32 v52, v2;
	v54 =	vmul.f32 v9, v50;
	v53 =	vpop (erf)  }
0x6c: {  	v55 =	vmul.f32 v10, v50;
	v0 =	vadd.f32 v3, v0;
	v3 =	vmul.f32 v13, v53  }
0x6d: {  	v1 =	vadd.f32 v54, v1;
	v56 =	vmul.f32 v12, v53  }
0x6e: {  	s15 =	sadd.s32 $0x1, s15;
	v2 =	vadd.f32 v55, v2;
	v58 =	vmul.f32 v14, v53;
	v0 =	vadd.f32 v3, v0;
	v57 =	vpop (erf)  }
0x6f: {  	p0 =	sne.s32 s15, $0x14;
	v1 =	vadd.f32 v56, v1;
	v3 =	vmul.f32 v23, v57;
	v59 =	vmul.f32 v15, v57  }
.Ltmp1:
0x70: {  	v2 =	vadd.f32 v58, v2;
	v60 =	vmul.f32 v22, v57;
	v61 =	vpop (erf);
	(pc) =	sbr.rel @p0 .LBB2_2-.Ltmp1, $4  }
0x71: {  	v0 =	vadd.f32 v3, v0;
	v1 =	vadd.f32 v59, v1;
	v3 =	vmul.f32 v19, v61  }
0x72: {  	v2 =	vadd.f32 v60, v2;
	v62 =	vmul.f32 v25, v61;
	v63 =	vmul.f32 v26, v61  }
0x73: {  	v0 =	vadd.f32 v3, v0  }
0x74: {  	v1 =	vadd.f32 v62, v1;
	v2 =	vadd.f32 v63, v2  }
0x75: {  	_ = 	snop  }
0x76: {  	(xrf2) =	vadd.scan.msk.f32 $0xffff, v2  }
0x77: {  	(xrf2) =	vadd.scan.msk.f32 $0xffff, v1  }
0x78: {  	(xrf2) =	vadd.scan.msk.f32 $0xffff, v0;
	_ =	sdelay $0x7  }
0x79: {  	v62, _, _ =	vpop (xrf2)  }
0x7a: {  	v1, _, _ =	vpop (xrf2)  }
0x7b: {  	v63, _, _ =	vpop (xrf2)  }
0x7c: {  	v2 =	vbroadcast v63, $0xF  }
0x7d: {  	v1 =	vbroadcast v1, $0xF  }
0x7e: {  	v0 =	vbroadcast v62, $0xF;
	v2 =	vnsel vm0, $0x0, v2  }
0x7f: {  	s14 =	sadd.s32 $0x1, s14;
	v1 =	vsel vm1, v2, v1  }
0x80: {  	p0 =	sne.s32 s14, s7;
	v0 =	vsel vm2, v1, v0  }
.Ltmp2:
0x81: {  	[tilespmem:$0x1D4C0] =	vst v0;
	(pc) =	sbr.rel @p0 .LBB2_1-.Ltmp2, $4  }
0x82: {  	[hbm4b:s6+s3] =	stream.linear.scatter [tilespmem:s13], [sflag:$0x3], $0x10, $0x38;
	[tilespmem:$0x1D4D0] =	vst v63  }
0x83: {  	_ =	swait.ge [sflag:s8], $0x10  }
0x84: {  	[sflag:s8] =	ssyncset.done $0x0  }
0x85: {  	[sflag:s8] =	ssyncadd.s32 $0xFFFFFFF0  }
0x86: {  	_ =	sfence.sel $0x180000  }
0x87: {  	[bflag:$0x0] =	sbarrier.arrive $0xFFFF  }
0x88: {  	p0 =	sne.s32 s2, $0x0;
	_ =	strace $0x9000004A  }
0x89: {  	s0 =	sadd.s32 @!p0 $0x100000, s0;
	[bflag:$0x2] =	sbarrier.arrive $0xFFFF  }
0x8a: {  	[sflag:s0] =	ssyncadd.tile.s32 @!p0 $0x1;
	_ =	shalt  }
.Lfunc_end2:
_tile_overlayer_lowered:
.L_overlay_start_2:
0x8b: {  	(tag) =	ssettag $0x2  }
0x8c: {  	s0 =	rddreg [dreg:$0x0];
	s2 =	stileid.u32  }
0x8d: {  	s1 =	rddreg [dreg:$0x1];
	p0 =	sne.s32 s2, $0x0  }
0x8e: {  	s3 =	rddreg [dreg:$0x2];
	[bflag:$0x3] =	sbarrier.arrive $0xFFFF;
	s2 =	simm.s32 @!p0 $0x1C03  }
0x8f: {  	[timem:s3], [sflag:s2] =	dma.local @!p0 [hbm:s0], s1  }
0x90: {  	s0 =	simm.s32 @!p0 $0x3  }
0x91: {  	_ =	swait.ge @!p0 [sflag:s0], s1  }
0x92: {  	s1 =	ssub.s32 @!p0 $0x0, s1;
	[sflag:s0] =	ssyncset.done @!p0 $0x0  }
0x93: {  	[sflag:s0] =	ssyncadd.s32 @!p0 s1  }
0x94: {  	[bflag:$0x3] =	sbarrier.arrive $0xFFFF  }
0x95: {  	_ =	shalt  }

// kernel: sparse-core-data-format-call.cloned.1.call-start
scs
called_computation_lowered:
.L_overlay_start_0:
0x0: {  	s1 =	sld [smem:$0x3FD9]  }
0x1: {  	s2 =	sld [smem:$0x3FFE];
	_ =	sdelay $0x1  }
0x2: {  	s3 =	srdreg.scid  }
0x3: {  	s0 =	sand.u32 $0x1, s3  }
0x4: {  	s17 =	sshll.u32 s0, $0xA;
	s1 =	sadd.s32 s2, s1  }
0x5: {  	s1 =	sadd.s32 s1, s17  }
0x6: {  	[smem:$0x3FC6] =	sst s1  }
0x7: {  	_ = 	snop  }
0x8: {  	(tm) =	ssettm $0x1  }
0x9: {  	s18 =	sld [smem:$0x3FFB];
	_ =	sdelay $0x3  }
0xa: {  	_ =	strace s18  }
0xb: {  	s1 =	sld [smem:$0x3FFC];
	_ =	sdelay $0x3  }
0xc: {  	_ =	strace s1  }
0xd: {  	s1 =	sld [smem:$0x3FFD];
	_ =	sdelay $0x3  }
0xe: {  	_ =	strace s1  }
0xf: {  	_ =	strace $0x8FFFFFFF  }
0x10: {  	s19 =	sld [smem:$0x3FDB];
	_ =	sdelay $0x1  }
0x11: {  	s20 =	simm.s32 $_scs_section_size  }
0x12: {  	s4 =	simm.s32 $_size__tile_overlayer_lowered;
	s5 =	simm.s32 $_tile_overlayer_lowered  }
0x13: {  	s23 =	simm.s32 $0x1BFF;
	s22 =	sshll.u32 s5, $0x1;
	s1 =	sadd.s32 s20, s19  }
0x14: {  	s6 =	simm.s32 $0x0;
	s21 =	sshll.u32 s4, $0x1;
	s4 =	sadd.s32 s22, s1  }
0x15: {  	[timem:s6], [sflag:s23] =	dma.local [hbm:s4], s21  }
0x16: {  	_ =	swait.ge [sflag:s23], s21  }
0x17: {  	s2 =	ssub.s32 $0x0, s21;
	[sflag:s23] =	ssyncset.done $0x0  }
0x18: {  	[sflag:s23] =	ssyncadd.s32 s2;
	_ =	sdelay $0x1  }
0x19: {  	s24 =	simm.s32 $0x1B8B  }
0x1a: {  	_ =	swait.ge [sflag:s24], $0x1  }
0x1b: {  	[sflag:s24] =	ssyncset.done $0x0  }
0x1c: {  	s26 =	simm.s32 $0x1B8E;
	s25 =	sld [smem:$0x3FFE];
	[sflag:s24] =	ssyncadd.s32 $0xFFFFFFFF  }
0x1d: {  	s27 =	simm.s32 $execute0_lowered;
	[smem:$0x3FD2] =	sst s26  }
0x1e: {  	s4 =	sshll.u32 s27, $0x1;
	_ =	strace $0x80000046;
	[dreg:$0x1] =	wrdreg $0xFFFFFFFF  }
0x1f: {  	s28 =	simm.s32 $_size_execute0_lowered;
	s1 =	sadd.s32 s1, s4;
	[dreg:$0x0] =	wrdreg $0x0  }
0x20: {  	s4 =	sshll.u32 s28, $0x1;
	[dreg:$0x2] =	wrdreg s1  }
0x21: {  	[dreg:$0x3] =	wrdreg s4  }
0x22: {  	[dreg:$0x4] =	wrdreg $0xC0  }
0x23: {  	_ =	task [dreg:s6], $0x5FFFF  }
0x24: {  	[dreg:$0x1] =	wrdreg $0xFFFFFFFF  }
0x25: {  	[dreg:$0x0] =	wrdreg $0x60  }
0x26: {  	[dreg:$0x2] =	wrdreg s25  }
0x27: {  	[dreg:$0x3] =	wrdreg $0x9  }
0x28: {  	_ =	task.clear_ibuf [dreg:s6], $0x4FFFF;
	_ =	strace $0x90000046  }
0x29: {  	s29 =	simm.s32 $0x9;
	_ =	strace $0x80000048  }
0x2a: {  	_ =	swait.ge [sflag:s29], $0x1  }
0x2b: {  	[sflag:s29] =	ssyncadd.s32 $0xFFFFFFFF  }
0x2c: {  	_ =	strace $0x90000048  }
0x2d: {  	_ =	sfence  }
0x2e: {  	s30 =	sld [smem:$0x0];
	_ =	sdelay $0x2  }
0x2f: {  	s31 =	sshll.u32 s3, $0xD;
	s3 =	sshrl.u32 s3, $0x2  }
0x30: {  	s2 =	sand.u32 $0x4000, s31;
	s1 =	sadd.s32 s3, s30  }
0x31: {  	s0 =	sor.u32 s2, s0;
	s1 =	sshll.u32 s1, $0x11  }
0x32: {  	s0 =	sor.u32 s1, s0  }
0x33: {  	s0 =	sadd.s32 $0x8F2B, s0  }
0x34: {  	[sflag:s0] =	ssyncadd.remote.s32 $0x1  }
0x35: {  	_ =	sfence.sel $0xFFFF  }
0x36: {  	[dreg:$0x0] =	wrdreg $0xFFFFFFFF;
	(pc) =	sbr.abs _section_cstart, $3  }
0x37: {  	[dreg:$0x1] =	wrdreg $0xFFFFFFFF  }
0x38: {  	_ =	task.clear_ibuf [dreg:s6], $0x2FFFF;
	_ =	strace $0x9FFFFFFF  }
0x39: {  	(tm) =	ssettm $0x7FFFFFFF  }
tec
execute0_lowered:
.L_overlay_start_1:
0x0: {  	(tag) =	ssettag $0x1  }
0x1: {  	s1 =	srdreg.scid  }
0x2: {  	s0 =	stileid.u32;
	s4 =	rddreg [dreg:$0x0]  }
0x3: {  	s31 =	simm.s32 $0x2;
	s9 =	simm.s32 $0x0;
	s10 =	simm.s32 $0x0  }
0x4: {  	s14 =	simm.s32 $0x0;
	s15 =	simm.s32 $0x0;
	s11 =	simm.s32 $0x0  }
0x5: {  	s13 =	simm.s32 $0x0;
	s2 =	sand.u32 $0x1, s1;
	s3 =	sshll.u32 s0, $0x7  }
0x6: {  	s1 =	rddreg [dreg:$0x1];
	s5 =	ssub.s32 $0xC300, s3;
	s6 =	ssub.s32 $0x2, s2  }
.Ltmp0:
0x7: {  	s5 =	sshrl.u32 s5, $0xB;
	s7 =	sshrl.u32 s6, $0x1;
	(pc) =	sbr.rel .LBB1_1-.Ltmp0, $4  }
0x8: {  	_ =	strace $0x80000047;
	s8 =	sadd.s32 $0x1, s5;
	s6 =	ssub.s32 s6, s7  }
0x9: {  	s30 =	sshll.u32 s2, $0x4;
	s5 =	simm.s32 $0x1;
	s6 =	smul.u32 s8, s6  }
0xa: {  	s12 =	smov.u32 s3;
	s7 =	sadd.s32 s30, s4;
	[sflag:s5] =	ssyncpa.u1 $0x0  }
0xb: {  	s7 =	sadd.s32 $0x186A00, s7;
	[sflag:s31] =	ssyncpa.u1 $0x0;
	s8 =	sadd.s32 $0x1, s6  }
.LBB1_4:
0xc: {  	s21 =	simm.s32 $0x0  }
.LBB1_8:
0xd: {  	_ =	sdelay $0x3  }
0xe: {  	v6 =	vld [tilespmem:s18+$0xFFFFFFC0];
	[tilespmem:v0+s20+$0x30 ss:$0x1] =	vst.idx.msk @p0 $0xffff, v2  }
0xf: {  	v58 =	vld [tilespmem:s18+$0xFFFFFFD0];
	[tilespmem:v0+s20+$0x40 ss:$0x1] =	vst.idx.msk @p0 $0xffff, v3;
	s21 =	sadd.s32 @p0 $0x80, s21  }
0x10: {  	v59 =	vld [tilespmem:s18+$0xFFFFFFE0];
	[tilespmem:v0+s20+$0x50 ss:$0x1] =	vst.idx.msk @p0 $0xffff, v5;
	s19 =	smov.u32 @p0 s21  }
0x11: {  	v60 =	vld [tilespmem:s18+$0xFFFFFFF0];
	[tilespmem:v0+s20+$0x60 ss:$0x1] =	vst.idx.msk @p0 $0xffff, v4;
	s19 =	sand.u32 $0x3F80, s19  }
0x12: {  	v61 =	vld [tilespmem:s18+$0x0];
	[tilespmem:v0+s19+$0x70 ss:$0x1] =	vst.idx.msk $0xffff, v1  }
0x13: {  	v62 =	vld [tilespmem:s18+$0x10];
	[tilespmem:v0+s19+$0x0 ss:$0x1] =	vst.idx.msk $0xffff, v6  }
0x14: {  	v63 =	vld [tilespmem:s18+$0x20];
	[tilespmem:v0+s19+$0x10 ss:$0x1] =	vst.idx.msk $0xffff, v58  }
0x15: {  	[tilespmem:v0+s19+$0x20 ss:$0x1] =	vst.idx.msk $0xffff, v59  }
0x16: {  	[tilespmem:v0+s19+$0x30 ss:$0x1] =	vst.idx.msk $0xffff, v60  }
0x17: {  	[tilespmem:v0+s19+$0x40 ss:$0x1] =	vst.idx.msk $0xffff, v61  }
0x18: {  	[tilespmem:v0+s19+$0x50 ss:$0x1] =	vst.idx.msk $0xffff, v62  }
0x19: {  	[tilespmem:v0+s19+$0x60 ss:$0x1] =	vst.idx.msk $0xffff, v63  }
.LBB1_9:
0x1a: {  	s18 =	sand.u32 $0x1FFFFFF, s11  }
0x1b: {  	s19 =	smulhi.u32 $0x14F8B59, s18;
	_ =	sdelay $0x1  }
0x1c: {  	s19 =	sshrl.u32 s19, $0x8  }
0x1d: {  	s19 =	smul.u32 $0xC350, s19  }
0x1e: {  	s15 =	smul.u32 $0xC3500, s15  }
0x1f: {  	s18 =	ssub.s32 s18, s19  }
0x20: {  	s15 =	sadd.s32 s4, s15;
	s18 =	sshll.u32 s18, $0x4  }
0x21: {  	s15 =	sadd.s32 s18, s15  }
0x22: {  	[hbm4b:s15+s9] =	stream.linear.scatter [tilespmem:s17], [sflag:$0x2], s16, $0x38;
	[tilespmem:$0x10000] =	vst v63  }
.LBB1_10:
0x23: {  	p0 =	slt.u32 s13, $0x2  }
0x24: {  	p1 =	sgt.s32 @!p0 s14, $0xC2D0  }
0x25: {  	s15 =	smov.u32 s14;
	s16 =	sshra.s32 @!p0 s14, $0x1F;
	p1 =	por !p1, p0  }
0x26: {  	s14 =	sand.u32 @!p0 s16, s14;
	s15 =	simm.s32 @p1 $0xC2D0  }
0x27: {  	s14 =	ssub.s32 @!p0 s15, s14  }
0x28: {  	s14 =	sadd.s32 @!p0 $0xFFFF3D30, s14  }
0x29: {  	s15 =	sshll.u32 @!p0 s14, $0x7  }
0x2a: {  	p1 =	sgt.s32 @!p0 s14, $0x7F;
	s14 =	ssub.s32 @!p0 $0x4000, s15  }
0x2b: {  	s16 =	sadd.s32 $0x800, s12;
	p1 =	por !p1, p0;
	s14 =	sand.u32 @!p0 $0x3FFFFF80, s14  }
0x2c: {  	s14 =	simm.s32 @!p1 $0x0;
	p1 =	sgt.s32 s16, $0xC34F  }
0x2d: {  	s16 =	smov.u32 @p1 s3;
	p1 =	sne.s32 s13, s8  }
.Ltmp1:
0x2e: {  	_ = 	snop;
	(pc) =	sbr.rel @!p1 .LBB1_11-.Ltmp1, $4  }
0x2f: {  	s10 =	sadd.s32 $0x4000, s10;
	s15 =	simm.s32 @!p0 $0x2  }
0x30: {  	_ =	swait.ge @!p0 [sflag:s15], s14;
	s17 =	ssub.s32 @!p0 $0x0, s14;
	s14 =	smov.u32 s11  }
0x31: {  	s13 =	sadd.s32 $0x1, s13;
	s11 =	smov.u32 s12;
	[sflag:s15] =	ssyncset.done @!p0 $0x0  }
0x32: {  	s12 =	smov.u32 s16;
	[sflag:s15] =	ssyncadd.s32 @!p0 s17;
	s15 =	smov.u32 s2  }
.LBB1_1:
0x33: {  	p0 =	sge.u32 s13, s6  }
0x34: {  	p1 =	sgt.s32 @!p0 s12, $0xC2D0  }
0x35: {  	s16 =	smov.u32 s12;
	s17 =	sshra.s32 @!p0 s12, $0x1F;
	p1 =	por !p1, p0  }
0x36: {  	s17 =	sand.u32 @!p0 s17, s12;
	s16 =	simm.s32 @p1 $0xC2D0  }
0x37: {  	s16 =	ssub.s32 @!p0 s16, s17  }
0x38: {  	s31 =	sadd.s32 $0xFFFFFFFF, s13;
	s18 =	sxor.u32 @!p0 $0xFFFFFFFF, s13;
	s16 =	sadd.s32 @!p0 $0xFFFF3D30, s16  }
0x39: {  	s19 =	simm.s32 @!p0 $0x80;
	s20 =	simm.s32 @!p0 $0x100;
	s17 =	sshll.u32 @!p0 s16, $0x7  }
0x3a: {  	p1 =	sgt.s32 @!p0 s16, $0x7F;
	s16 =	ssub.s32 @!p0 $0x4000, s17;
	s17 =	sshll.u32 @!p0 s18, $0xE  }
0x3b: {  	p1 =	por !p1, p0;
	s18 =	sshll.u32 @!p0 s12, $0x5;
	s16 =	sand.u32 @!p0 $0x3FFFFF80, s16  }
0x3c: {  	s17 =	sand.u32 @!p0 $0x4000, s17;
	s18 =	sadd.s32 @!p0 s18, s7;
	s16 =	simm.s32 @!p1 $0x0  }
0x3d: {  	[tilespmem:s17], [sflag:$0x1] =	stream.strided.gather @!p0 [hbm4b:s18+s19], s16, s20, s19, $0x38;
	[tilespmem:$0x10000] =	vst v63  }
0x3e: {  	p0 =	sge.u32 s31, s6  }
.Ltmp2:
0x3f: {  	_ = 	snop;
	(pc) =	sbr.rel @p0 .LBB1_10-.Ltmp2, $1  }
0x40: {  	_ =	sdelay $0x3  }
0x41: {  	p0 =	sgt.s32 s11, $0xC2D0;
	s16 =	smov.u32 s11;
	s17 =	sshra.s32 s11, $0x1F  }
0x42: {  	s16 =	simm.s32 @!p0 $0xC2D0;
	s17 =	sand.u32 s17, s11  }
0x43: {  	s16 =	ssub.s32 s16, s17  }
0x44: {  	s16 =	sadd.s32 $0xFFFF3D30, s16  }
0x45: {  	s30 =	sshll.u32 s16, $0x7  }
0x46: {  	s17 =	ssub.s32 $0x4000, s30  }
0x47: {  	p0 =	sgt.s32 s16, $0x7F;
	s16 =	sand.u32 $0x3FFFFF80, s17;
	s17 =	sadd.s32 $0x80, s11  }
0x48: {  	s16 =	simm.s32 @p0 $0x0;
	p0 =	slt.s32 s17, $0xC350  }
0x49: {  	s17 =	simm.s32 @!p0 $0xC350  }
0x4a: {  	s20 =	ssub.s32 s17, s11  }
0x4b: {  	p0 =	slt.s32 s20, $0x1  }
.Ltmp3:
0x4c: {  	_ = 	snop;
	(pc) =	sbr.rel @p0 .LBB1_9-.Ltmp3, $4  }
0x4d: {  	_ = 	snop  }
0x4e: {  	s19 =	sshll.u32 s13, $0xE;
	_ =	swait.ge [sflag:s5], s16  }
0x4f: {  	s31 =	sand.u32 $0x4000, s19;
	s18 =	ssub.s32 $0x0, s16;
	[sflag:s5] =	ssyncset.done $0x0  }
0x50: {  	s17 =	sor.u32 $0x8000, s31;
	[sflag:s5] =	ssyncadd.s32 s18  }
0x51: {  	p1 =	sne.s32 s20, $0x1  }
.Ltmp4:
0x52: {  	v0 =	vmov s17;
	(pc) =	sbr.rel @!p1 .LBB1_4-.Ltmp4, $4  }
0x53: {  	_ = 	snop  }
0x54: {  	s18 =	sand.u32 $0x4000, s10  }
0x55: {  	s18 =	sor.u32 $0x40, s18  }
0x56: {  	s19 =	simm.s32 $0x0;
	s21 =	sadd.s32 $0xFFFFFFFF, s20;
	p0 =	por $0x0, $0x0;
	v1 =	vld [tilespmem:s18+$0x30]  }
0x57: {  	v4 =	vld [tilespmem:s18+$0xFFFFFFC0]  }
0x58: {  	v6 =	vld [tilespmem:s18+$0xFFFFFFD0]  }
0x59: {  	v7 =	vld [tilespmem:s18+$0xFFFFFFE0];
	p1 =	sne.s32 s21, $0x1  }
.Ltmp5:
0x5a: {  	v2 =	vld [tilespmem:s18+$0xFFFFFFF0];
	s20 =	sand.u32 $0x3F80, s19;
	(pc) =	sbr.rel @!p1 .LBB1_6-.Ltmp5, $4  }
0x5b: {  	v3 =	vld [tilespmem:s18+$0x0];
	[tilespmem:v0+s20+$0x70 ss:$0x1] =	vst.idx.msk $0xffff, v1  }
0x5c: {  	v5 =	vld [tilespmem:s18+$0x10];
	[tilespmem:v0+s20+$0x0 ss:$0x1] =	vst.idx.msk $0xffff, v4  }
0x5d: {  	v4 =	vld [tilespmem:s18+$0x20];
	[tilespmem:v0+s20+$0x10 ss:$0x1] =	vst.idx.msk $0xffff, v6;
	s18 =	sadd.s32 $0x80, s18  }
0x5e: {  	s22 =	sadd.s32 $0xFFFFFFFF, s21;
	p0 =	por $0x1, $0x1;
	s21 =	simm.s32 $0x0;
	[tilespmem:v0+s20+$0x20 ss:$0x1] =	vst.idx.msk $0xffff, v7;
	v1 =	vld [tilespmem:s18+$0x30]  }
.LBB1_7:
0x5f: {  	p1 =	sne.s32 s22, $0x1;
	v6 =	vld [tilespmem:s18+$0xFFFFFFC0];
	[tilespmem:v0+s20+$0x30 ss:$0x1] =	vst.idx.msk $0xffff, v2  }
0x60: {  	v7 =	vld [tilespmem:s18+$0xFFFFFFD0];
	[tilespmem:v0+s20+$0x40 ss:$0x1] =	vst.idx.msk $0xffff, v3  }
0x61: {  	s21 =	sadd.s32 $0x80, s21;
	v8 =	vld [tilespmem:s18+$0xFFFFFFE0];
	[tilespmem:v0+s20+$0x50 ss:$0x1] =	vst.idx.msk $0xffff, v5  }
.Ltmp6:
0x62: {  	v2 =	vld [tilespmem:s18+$0xFFFFFFF0];
	[tilespmem:v0+s20+$0x60 ss:$0x1] =	vst.idx.msk $0xffff, v4;
	s20 =	sand.u32 $0x3F80, s21;
	(pc) =	sbr.rel @p1 .LBB1_7-.Ltmp6, $4  }
0x63: {  	v3 =	vld [tilespmem:s18+$0x0];
	[tilespmem:v0+s20+$0x70 ss:$0x1] =	vst.idx.msk $0xffff, v1  }
0x64: {  	[tilespmem:v0+s20+$0x0 ss:$0x1] =	vst.idx.msk $0xffff, v6;
	v5 =	vld [tilespmem:s18+$0x10]  }
0x65: {  	[tilespmem:v0+s20+$0x10 ss:$0x1] =	vst.idx.msk $0xffff, v7;
	v4 =	vld [tilespmem:s18+$0x20];
	s18 =	sadd.s32 $0x80, s18  }
0x66: {  	s22 =	sadd.s32 $0xFFFFFFFF, s22;
	v1 =	vld [tilespmem:s18+$0x30];
	[tilespmem:v0+s20+$0x20 ss:$0x1] =	vst.idx.msk $0xffff, v8  }
.Ltmp7:
0x67: {  	_ = 	snop;
	(pc) =	sbr.rel .LBB1_8-.Ltmp7, $1  }
0x68: {  	_ =	sdelay $0x3  }
.LBB1_6:
.Ltmp8:
0x69: {  	(pc) =	sbr.rel .LBB1_8-.Ltmp8, $2  }
0x6a: {  	_ =	sdelay $0x2  }
0x6b: {  	s21 =	simm.s32 $0x0  }
.LBB1_11:
0x6c: {  	_ =	sfence.sel $0x180000  }
0x6d: {  	s2 =	simm.s32 $0x1;
	[bflag:$0x0] =	sbarrier.arrive $0xFFFF  }
0x6e: {  	s31 =	simm.s32 $0x2;
	[sflag:s2] =	ssyncpa.u1 $0x1  }
0x6f: {  	[sflag:s31] =	ssyncpa.u1 $0x1  }
0x70: {  	p0 =	sne.s32 s0, $0x0;
	_ =	strace $0x90000047  }
0x71: {  	s0 =	sadd.s32 @!p0 $0x100000, s1;
	[bflag:$0x2] =	sbarrier.arrive $0xFFFF  }
0x72: {  	[sflag:s0] =	ssyncadd.tile.s32 @!p0 $0x1;
	_ =	shalt  }
.Lfunc_end1:
_tile_overlayer_lowered:
.L_overlay_start_2:
0x73: {  	(tag) =	ssettag $0x2  }
0x74: {  	s0 =	rddreg [dreg:$0x0];
	s2 =	stileid.u32  }
0x75: {  	s1 =	rddreg [dreg:$0x1];
	p0 =	sne.s32 s2, $0x0  }
0x76: {  	s3 =	rddreg [dreg:$0x2];
	[bflag:$0x3] =	sbarrier.arrive $0xFFFF;
	s2 =	simm.s32 @!p0 $0x1C01  }
0x77: {  	[timem:s3], [sflag:s2] =	dma.local @!p0 [hbm:s0], s1  }
0x78: {  	s0 =	simm.s32 @!p0 $0x1  }
0x79: {  	_ =	swait.ge @!p0 [sflag:s0], s1  }
0x7a: {  	s1 =	ssub.s32 @!p0 $0x0, s1;
	[sflag:s0] =	ssyncset.done @!p0 $0x0  }
0x7b: {  	[sflag:s0] =	ssyncadd.s32 @!p0 s1  }
0x7c: {  	[bflag:$0x3] =	sbarrier.arrive $0xFFFF  }
0x7d: {  	_ =	shalt  }

</sc_bundles>
